<compile_context>
chip_gen: v7x
topology: tpu7x:2x2x1
jax: 0.10.2.dev20260603
libtpu: 0.0.44.dev20260713+nightly
codegen_flags: <defaults>
</compile_context>

<pallas_src>
import functools

import jax
import jax.numpy as jnp
from jax import lax
from jax.experimental import pallas as pl
from jax.experimental.pallas import tpu as pltpu
from jax.experimental.pallas import tpu_sc as plsc

N = 10000
D = 128
E = 320000

NC = 2
NS = 16
NW = NC * NS
EPW = E // NW
K = 80
NCHUNK = EPW // K
G = 5
NGI = NCHUNK // G
P = 2
Q = 3
NP = 10240
RPT = NP // NS


def _sc_agg_body(feat_hbm, ei_hbm, zf_hbm, zd_hbm,
                 psum_hbm, pdeg_hbm,
                 colbuf, rowbuf, fb, degbuf,
                 accum, semg, semsc, semic, semir):
    row_hbm = ei_hbm.at[0]
    col_hbm = ei_hbm.at[1]
    c = lax.axis_index("c")
    s = lax.axis_index("s")
    wid = s * NC + c

    pltpu.sync_copy(zf_hbm, accum.at[pl.ds(s * RPT, RPT)])
    pltpu.sync_copy(zd_hbm, degbuf)
    plsc.subcore_barrier()

    pltpu.sync_copy(col_hbm.at[wid, 0], colbuf.at[pl.ds(0, G)])
    pltpu.sync_copy(row_hbm.at[wid, 0], rowbuf.at[pl.ds(0, G)])
    pltpu.async_copy(col_hbm.at[wid, 1], colbuf.at[pl.ds(G, G)], semic)
    pltpu.async_copy(row_hbm.at[wid, 1], rowbuf.at[pl.ds(G, G)], semir)

    ones16 = jnp.ones((16,), jnp.float32)

    for b in range(P):
        pltpu.async_copy(feat_hbm.at[colbuf.at[b]],
                         fb.at[pl.ds(b * K, K)], semg.at[b])

    def chunk(ch, carry):
        grp = ch // G
        j = ch - grp * G
        slot = lax.rem(grp, 2)
        sg = lax.rem(ch, Q)

        @pl.when(jnp.logical_and(j == G - P, grp + 1 < NGI))
        def _():
            pltpu.make_async_copy(col_hbm.at[wid, grp + 1],
                                  colbuf.at[pl.ds((1 - slot) * G, G)],
                                  semic).wait()
            pltpu.make_async_copy(row_hbm.at[wid, grp + 1],
                                  rowbuf.at[pl.ds((1 - slot) * G, G)],
                                  semir).wait()

        rw = slot * G + j
        pltpu.make_async_copy(feat_hbm.at[colbuf.at[rw]],
                              fb.at[pl.ds(sg * K, K)], semg.at[sg]).wait()
        pltpu.async_copy(fb.at[pl.ds(sg * K, K)],
                         accum.at[rowbuf.at[rw]], semsc.at[sg], add=True)
        for t in range(K // 16):
            idx = rowbuf[rw, pl.ds(t * 16, 16)]
            plsc.addupdate_scatter(degbuf, [idx], ones16)

        nxt = ch + P
        sn_fb = lax.rem(nxt, Q)

        @pl.when(jnp.logical_and(nxt < NCHUNK, ch >= Q - P))
        def _():
            pltpu.make_async_copy(fb.at[pl.ds(sn_fb * K, K)],
                                  accum.at[rowbuf.at[rw]],
                                  semsc.at[sn_fb]).wait()

        @pl.when(nxt < NCHUNK)
        def _():
            gn = nxt // G
            jn = nxt - gn * G
            sn = lax.rem(gn, 2)
            pltpu.async_copy(feat_hbm.at[colbuf.at[sn * G + jn]],
                             fb.at[pl.ds(sn_fb * K, K)], semg.at[sn_fb])

        @pl.when(jnp.logical_and(j == G - 1, grp + 2 < NGI))
        def _():
            pltpu.async_copy(col_hbm.at[wid, grp + 2],
                             colbuf.at[pl.ds(slot * G, G)], semic)
            pltpu.async_copy(row_hbm.at[wid, grp + 2],
                             rowbuf.at[pl.ds(slot * G, G)], semir)

        return carry

    lax.fori_loop(0, NCHUNK, chunk, 0)

    for q in range(Q):
        pltpu.make_async_copy(fb.at[pl.ds(q * K, K)],
                              accum.at[rowbuf.at[0]], semsc.at[q]).wait()
    plsc.subcore_barrier()

    out_base = c * NP + s * RPT
    pltpu.sync_copy(accum.at[pl.ds(s * RPT, RPT)],
                    psum_hbm.at[pl.ds(out_base, RPT)])
    pltpu.sync_copy(degbuf, pdeg_hbm.at[wid])


_sc_agg = functools.partial(
    pl.kernel,
    out_type=(
        jax.ShapeDtypeStruct((2 * NP, D), jnp.float32),
        jax.ShapeDtypeStruct((NW, NP), jnp.float32),
    ),
    mesh=plsc.VectorSubcoreMesh(core_axis_name="c", subcore_axis_name="s",
                                num_cores=NC, num_subcores=NS),
    compiler_params=pltpu.CompilerParams(needs_layout_passes=False),
    scratch_types=[
        pltpu.VMEM((2 * G, K), jnp.int32),
        pltpu.VMEM((2 * G, K), jnp.int32),
        pltpu.VMEM((Q * K, D), jnp.float32),
        pltpu.VMEM((NP,), jnp.float32),
        pltpu.VMEM_SHARED((NP, D), jnp.float32),
        pltpu.SemaphoreType.DMA((Q,)),
        pltpu.SemaphoreType.DMA((Q,)),
        pltpu.SemaphoreType.DMA,
        pltpu.SemaphoreType.DMA,
    ],
)(_sc_agg_body)


def _ln(h, sc, of):
    m = jnp.mean(h, axis=1, keepdims=True)
    v = jnp.mean((h - m) ** 2, axis=1, keepdims=True) + 1e-9
    return (h - m) * sc * lax.rsqrt(v) + of


_DN = (((1,), (1,)), ((), ()))


def _tc_self_body(feat_ref, ws_ref, bs_ref, scs_ref, ofs_ref, out_ref):
    hs = lax.dot_general(feat_ref[...], ws_ref[...], _DN,
                         preferred_element_type=jnp.float32)
    hs = jnp.maximum(hs + bs_ref[...], 0.0)
    out_ref[...] = _ln(hs, scs_ref[...], ofs_ref[...])


def _tc_neigh_body(ps_ref, pd_ref, hs_ref, wn_ref, bn_ref, scn_ref, ofn_ref,
                   out_ref, dg_ref):
    i = pl.program_id(0)

    @pl.when(i == 0)
    def _():
        dn0 = (((0,), (0,)), ((), ()))
        dg = lax.dot_general(pd_ref[...], jnp.ones((NW, 1), jnp.float32),
                             dn0, preferred_element_type=jnp.float32)
        dg_ref[...] = jnp.maximum(dg, 1.0)

    ns = ps_ref[0] + ps_ref[1]
    fn = ns / dg_ref[pl.ds(i * BR, BR), :]
    hn = lax.dot_general(fn, wn_ref[...], _DN,
                         preferred_element_type=jnp.float32)
    hn = jnp.maximum(hn + bn_ref[...], 0.0)
    out_ref[...] = hs_ref[...] + _ln(hn, scn_ref[...], ofn_ref[...])


BR = 400


def _tc_self(feat, W_self, b_self, sc_s, of_s):
    full = lambda shape: pl.BlockSpec(shape, lambda i: (0,) * len(shape))
    return pl.pallas_call(
        _tc_self_body,
        grid=(N // BR,),
        in_specs=[
            pl.BlockSpec((BR, D), lambda i: (i, 0)),
            full((D, D)),
            full((1, D)),
            full((1, D)),
            full((1, D)),
        ],
        out_specs=pl.BlockSpec((BR, D), lambda i: (i, 0)),
        out_shape=jax.ShapeDtypeStruct((N, D), jnp.float32),
    )(feat, W_self, b_self, sc_s, of_s)


def _tc_neigh(psum, pdeg, hself, W_neigh, b_neigh, sc_n, of_n):
    full = lambda shape: pl.BlockSpec(shape, lambda i: (0,) * len(shape))
    return pl.pallas_call(
        _tc_neigh_body,
        grid=(N // BR,),
        in_specs=[
            pl.BlockSpec((2, BR, D), lambda i: (0, i, 0)),
            full((NW, NP)),
            pl.BlockSpec((BR, D), lambda i: (i, 0)),
            full((D, D)),
            full((1, D)),
            full((1, D)),
            full((1, D)),
        ],
        out_specs=pl.BlockSpec((BR, D), lambda i: (i, 0)),
        out_shape=jax.ShapeDtypeStruct((N, D), jnp.float32),
        scratch_shapes=[pltpu.VMEM((NP, 1), jnp.float32)],
    )(psum, pdeg, hself, W_neigh, b_neigh, sc_n, of_n)


def kernel(feat_in, edge_index, W_self, b_self, W_neigh, b_neigh, offset, scale):
    ei = edge_index.reshape(2, NW, NGI, G, K)
    zf = jnp.zeros((RPT, D), jnp.float32)
    zd = jnp.zeros((NP,), jnp.float32)

    hself = _tc_self(feat_in, W_self, b_self.reshape(1, D),
                     scale[:D].reshape(1, D), offset[:D].reshape(1, D))
    psum, pdeg = _sc_agg(feat_in, ei, zf, zd)

    return _tc_neigh(
        psum.reshape(2, NP, D), pdeg, hself,
        W_neigh, b_neigh.reshape(1, D),
        scale[D:].reshape(1, D), offset[D:].reshape(1, D),
    )

# --- scband reference (transcript-rebuilt; emitter-appended) ---
"""Pipeline reference for scband-graph-sage-43997644981191 (READ-ONLY COPY).

The authoritative reference and input builder live on the scoring server;
editing this copy changes nothing except your own understanding.
"""

import jax, jax.numpy as jnp
import numpy as np

N = 10000
E = 320000
D = 128


def setup_inputs(seed: int = 0) -> dict:
    key = jax.random.key(seed)
    k1, k2, k3, k4 = jax.random.split(key, 4)
    feat_in = jax.random.normal(k1, (N, D), dtype=jnp.float32)
    edge_index = jax.random.randint(k2, (2, E), 0, N, dtype=jnp.int32)
    W_self = jax.random.normal(k3, (D, D), dtype=jnp.float32) * (1.0 / np.sqrt(D))
    b_self = jnp.zeros((D,), dtype=jnp.float32)
    W_neigh = jax.random.normal(k4, (D, D), dtype=jnp.float32) * (1.0 / np.sqrt(D))
    b_neigh = jnp.zeros((D,), dtype=jnp.float32)
    offset = jnp.zeros((2 * D,), dtype=jnp.float32)
    scale = jnp.ones((2 * D,), dtype=jnp.float32)
    return {"feat_in": feat_in, "edge_index": edge_index, "W_self": W_self, "b_self": b_self, "W_neigh": W_neigh, "b_neigh": b_neigh, "offset": offset, "scale": scale}


def _f_norm(x, scale, offset, _id, dim_out):
    mean = jnp.mean(x, axis=1, keepdims=True)
    var = jnp.var(x, axis=1, keepdims=True) + 1e-09
    sc = scale[_id * dim_out:(_id + 1) * dim_out]
    of = offset[_id * dim_out:(_id + 1) * dim_out]
    return (x - mean) * sc * jax.lax.rsqrt(var) + of


def reference(feat_in, edge_index, W_self, b_self, W_neigh, b_neigh, offset, scale):
    n = feat_in.shape[0]
    row = edge_index[0]  # dst node of each edge
    col = edge_index[1]  # src node of each edge
    # random-walk normalized adjacency: A_norm = D^-1 A  (spmm)
    deg = jax.ops.segment_sum(jnp.ones((row.shape[0],), dtype=feat_in.dtype), row, num_segments=n)
    deg = jnp.maximum(deg, 1.0)
    feat_neigh = jax.ops.segment_sum(jnp.take(feat_in, col, axis=0), row, num_segments=n) / deg[:, None]
    # dropout p=0.0 -> identity
    feat_self = feat_in
    h_self = jax.nn.relu(feat_self @ W_self.T + b_self)
    h_neigh = jax.nn.relu(feat_neigh @ W_neigh.T + b_neigh)
    feat_self_trans = _f_norm(h_self, scale, offset, 0, D)
    feat_neigh_trans = _f_norm(h_neigh, scale, offset, 1, D)
    feat_out = feat_self_trans + feat_neigh_trans
    return feat_out

if __name__ == "__main__":
    import jax
    _d = setup_inputs()
    print(jax.jit(kernel)(*tuple(_d.values())))

</pallas_src>

<mosaic_0001>
#map = affine_map<(d0, d1) -> (0, 0)>
#map1 = affine_map<(d0, d1) -> (0, 0, 0, 0, 0)>
#map2 = affine_map<(d0, d1) -> (0)>
module attributes {stable_mosaic.version = 14 : i64} {
  func.func @_sc_agg_body(%arg0: i32, %arg1: i32, %arg2: memref<10000x128xf32, #tpu.memory_space<hbm>>, %arg3: memref<2x32x25x5x80xi32, #tpu.memory_space<hbm>>, %arg4: memref<640x128xf32, #tpu.memory_space<hbm>>, %arg5: memref<10240xf32, #tpu.memory_space<hbm>>, %arg6: memref<20480x128xf32, #tpu.memory_space<hbm>>, %arg7: memref<32x10240xf32, #tpu.memory_space<hbm>>, %arg8: memref<10x80xi32, #tpu.memory_space<vmem>>, %arg9: memref<10x80xi32, #tpu.memory_space<vmem>>, %arg10: memref<240x128xf32, #tpu.memory_space<vmem>>, %arg11: memref<10240xf32, #tpu.memory_space<vmem>>, %arg12: memref<10240x128xf32, #tpu.memory_space<vmem_shared>>, %arg13: memref<3x!tpu.dma_semaphore, #tpu.memory_space<semaphore_mem>>, %arg14: memref<3x!tpu.dma_semaphore, #tpu.memory_space<semaphore_mem>>, %arg15: memref<!tpu.dma_semaphore, #tpu.memory_space<semaphore_mem>>, %arg16: memref<!tpu.dma_semaphore, #tpu.memory_space<semaphore_mem>>) attributes {dimension_semantics = [#tpu.dimension_semantics<core_parallel>, #tpu.dimension_semantics<subcore_parallel>], iteration_bounds = array<i64: 2, 16>, scalar_prefetch = 0 : i64, scratch_operands = 9 : i64, tpu.core_type = #tpu.core_type<sc_vector_subcore>, window_params = [{transform_indices = #map}, {transform_indices = #map1}, {transform_indices = #map}, {transform_indices = #map2}, {transform_indices = #map}, {transform_indices = #map}]} {
    %mul3A = arith.constant 2 : i32
    %mul3A_0 = arith.muli %arg1, %mul3A : i32
    %add3A = arith.addi %mul3A_0, %arg0 : i32
    %mul3A_1 = arith.constant 640 : i32
    %mul3A_2 = arith.muli %arg1, %mul3A_1 : i32
    "tpu.region"() ({
      %run_scoped3A_141 = tpu.sem_alloc : memref<!tpu.dma_semaphore, #tpu.memory_space<semaphore_mem>>
      %dma_start3A_142 = arith.constant 0 : i32
      %dma_start3A_143 = tpu.memref_slice %arg12[%mul3A_2, %dma_start3A_142] : memref<10240x128xf32, #tpu.memory_space<vmem_shared>> -> memref<640x128xf32, #tpu.memory_space<vmem_shared>>
      tpu.enqueue_dma source(%arg4 : memref<640x128xf32, #tpu.memory_space<hbm>>) target(%dma_start3A_143 : memref<640x128xf32, #tpu.memory_space<vmem_shared>>) target_semaphore(%run_scoped3A_141 : memref<!tpu.dma_semaphore, #tpu.memory_space<semaphore_mem>>)
      %dma_wait3A_144 = arith.constant 0 : i32
      %dma_wait3A_145 = tpu.memref_slice %arg12[%mul3A_2, %dma_wait3A_144] : memref<10240x128xf32, #tpu.memory_space<vmem_shared>> -> memref<640x128xf32, #tpu.memory_space<vmem_shared>>
      tpu.wait_dma2 semaphore(%run_scoped3A_141 : memref<!tpu.dma_semaphore, #tpu.memory_space<semaphore_mem>>) src(%arg4 : memref<640x128xf32, #tpu.memory_space<hbm>>) dst(%dma_wait3A_145 : memref<640x128xf32, #tpu.memory_space<vmem_shared>>)
      tpu.yield
    }) : () -> ()
    "tpu.region"() ({
      %run_scoped3A_141 = tpu.sem_alloc : memref<!tpu.dma_semaphore, #tpu.memory_space<semaphore_mem>>
      tpu.enqueue_dma source(%arg5 : memref<10240xf32, #tpu.memory_space<hbm>>) target(%arg11 : memref<10240xf32, #tpu.memory_space<vmem>>) target_semaphore(%run_scoped3A_141 : memref<!tpu.dma_semaphore, #tpu.memory_space<semaphore_mem>>)
      tpu.wait_dma2 semaphore(%run_scoped3A_141 : memref<!tpu.dma_semaphore, #tpu.memory_space<semaphore_mem>>) src(%arg5 : memref<10240xf32, #tpu.memory_space<hbm>>) dst(%arg11 : memref<10240xf32, #tpu.memory_space<vmem>>)
      tpu.yield
    }) : () -> ()
    %barrier3A = arith.constant 0 : index
    tpu.barrier barrier_id(%barrier3A)
    %run_scoped3A = arith.constant 1 : i32
    %run_scoped3A_3 = arith.constant 0 : i32
    "tpu.region"() ({
      %run_scoped3A_141 = tpu.sem_alloc : memref<!tpu.dma_semaphore, #tpu.memory_space<semaphore_mem>>
      %dma_start3A_142 = arith.constant 0 : i32
      %dma_start3A_143 = arith.constant 0 : i32
      %dma_start3A_144 = tpu.memref_slice %arg8[%dma_start3A_142, %dma_start3A_143] : memref<10x80xi32, #tpu.memory_space<vmem>> -> memref<5x80xi32, #tpu.memory_space<vmem>>
      %dma_start3A_145 = arith.constant 0 : i32
      %dma_start3A_146 = arith.constant 0 : i32
      %dma_start3A_147 = arith.constant 0 : i32
      %dma_start3A_148 = arith.constant 0 : i32
      %dma_start3A_149 = tpu.memref_slice %arg3[%run_scoped3A, %dma_start3A_145, %dma_start3A_146, %dma_start3A_147, %dma_start3A_148] : memref<2x32x25x5x80xi32, #tpu.memory_space<hbm>> -> memref<1x32x25x5x80xi32, #tpu.memory_space<hbm>>
      %dma_start3A_150 = tpu.memref_squeeze %dma_start3A_149 : memref<1x32x25x5x80xi32, #tpu.memory_space<hbm>> -> memref<32x25x5x80xi32, #tpu.memory_space<hbm>>
      %dma_start3A_151 = arith.constant 0 : i32
      %dma_start3A_152 = arith.constant 0 : i32
      %dma_start3A_153 = tpu.memref_slice %dma_start3A_150[%add3A, %run_scoped3A_3, %dma_start3A_151, %dma_start3A_152] : memref<32x25x5x80xi32, #tpu.memory_space<hbm>> -> memref<1x1x5x80xi32, #tpu.memory_space<hbm>>
      %dma_start3A_154 = tpu.memref_squeeze %dma_start3A_153 : memref<1x1x5x80xi32, #tpu.memory_space<hbm>> -> memref<5x80xi32, #tpu.memory_space<hbm>>
      %dma_start3A_155 = arith.constant 0 : i32
      %dma_start3A_156 = arith.constant 0 : i32
      %dma_start3A_157 = tpu.memref_slice %arg8[%dma_start3A_155, %dma_start3A_156] : memref<10x80xi32, #tpu.memory_space<vmem>> -> memref<5x80xi32, #tpu.memory_space<vmem>>
      %dma_start3A_158 = arith.constant 0 : i32
      %dma_start3A_159 = arith.constant 0 : i32
      %dma_start3A_160 = arith.constant 0 : i32
      %dma_start3A_161 = arith.constant 0 : i32
      %dma_start3A_162 = tpu.memref_slice %arg3[%run_scoped3A, %dma_start3A_158, %dma_start3A_159, %dma_start3A_160, %dma_start3A_161] : memref<2x32x25x5x80xi32, #tpu.memory_space<hbm>> -> memref<1x32x25x5x80xi32, #tpu.memory_space<hbm>>
      %dma_start3A_163 = tpu.memref_squeeze %dma_start3A_162 : memref<1x32x25x5x80xi32, #tpu.memory_space<hbm>> -> memref<32x25x5x80xi32, #tpu.memory_space<hbm>>
      %dma_start3A_164 = arith.constant 0 : i32
      %dma_start3A_165 = arith.constant 0 : i32
      %dma_start3A_166 = tpu.memref_slice %dma_start3A_163[%add3A, %run_scoped3A_3, %dma_start3A_164, %dma_start3A_165] : memref<32x25x5x80xi32, #tpu.memory_space<hbm>> -> memref<1x1x5x80xi32, #tpu.memory_space<hbm>>
      %dma_start3A_167 = tpu.memref_squeeze %dma_start3A_166 : memref<1x1x5x80xi32, #tpu.memory_space<hbm>> -> memref<5x80xi32, #tpu.memory_space<hbm>>
      tpu.enqueue_dma source(%dma_start3A_167 : memref<5x80xi32, #tpu.memory_space<hbm>>) target(%dma_start3A_157 : memref<5x80xi32, #tpu.memory_space<vmem>>) target_semaphore(%run_scoped3A_141 : memref<!tpu.dma_semaphore, #tpu.memory_space<semaphore_mem>>)
      %dma_wait3A_168 = arith.constant 0 : i32
      %dma_wait3A_169 = arith.constant 0 : i32
      %dma_wait3A_170 = tpu.memref_slice %arg8[%dma_wait3A_168, %dma_wait3A_169] : memref<10x80xi32, #tpu.memory_space<vmem>> -> memref<5x80xi32, #tpu.memory_space<vmem>>
      %dma_wait3A_171 = arith.constant 0 : i32
      %dma_wait3A_172 = arith.constant 0 : i32
      %dma_wait3A_173 = arith.constant 0 : i32
      %dma_wait3A_174 = arith.constant 0 : i32
      %dma_wait3A_175 = tpu.memref_slice %arg3[%run_scoped3A, %dma_wait3A_171, %dma_wait3A_172, %dma_wait3A_173, %dma_wait3A_174] : memref<2x32x25x5x80xi32, #tpu.memory_space<hbm>> -> memref<1x32x25x5x80xi32, #tpu.memory_space<hbm>>
      %dma_wait3A_176 = tpu.memref_squeeze %dma_wait3A_175 : memref<1x32x25x5x80xi32, #tpu.memory_space<hbm>> -> memref<32x25x5x80xi32, #tpu.memory_space<hbm>>
      %dma_wait3A_177 = arith.constant 0 : i32
      %dma_wait3A_178 = arith.constant 0 : i32
      %dma_wait3A_179 = tpu.memref_slice %dma_wait3A_176[%add3A, %run_scoped3A_3, %dma_wait3A_177, %dma_wait3A_178] : memref<32x25x5x80xi32, #tpu.memory_space<hbm>> -> memref<1x1x5x80xi32, #tpu.memory_space<hbm>>
      %dma_wait3A_180 = tpu.memref_squeeze %dma_wait3A_179 : memref<1x1x5x80xi32, #tpu.memory_space<hbm>> -> memref<5x80xi32, #tpu.memory_space<hbm>>
      %dma_wait3A_181 = arith.constant 0 : i32
      %dma_wait3A_182 = arith.constant 0 : i32
      %dma_wait3A_183 = tpu.memref_slice %arg8[%dma_wait3A_181, %dma_wait3A_182] : memref<10x80xi32, #tpu.memory_space<vmem>> -> memref<5x80xi32, #tpu.memory_space<vmem>>
      %dma_wait3A_184 = arith.constant 0 : i32
      %dma_wait3A_185 = arith.constant 0 : i32
      %dma_wait3A_186 = arith.constant 0 : i32
      %dma_wait3A_187 = arith.constant 0 : i32
      %dma_wait3A_188 = tpu.memref_slice %arg3[%run_scoped3A, %dma_wait3A_184, %dma_wait3A_185, %dma_wait3A_186, %dma_wait3A_187] : memref<2x32x25x5x80xi32, #tpu.memory_space<hbm>> -> memref<1x32x25x5x80xi32, #tpu.memory_space<hbm>>
      %dma_wait3A_189 = tpu.memref_squeeze %dma_wait3A_188 : memref<1x32x25x5x80xi32, #tpu.memory_space<hbm>> -> memref<32x25x5x80xi32, #tpu.memory_space<hbm>>
      %dma_wait3A_190 = arith.constant 0 : i32
      %dma_wait3A_191 = arith.constant 0 : i32
      %dma_wait3A_192 = tpu.memref_slice %dma_wait3A_189[%add3A, %run_scoped3A_3, %dma_wait3A_190, %dma_wait3A_191] : memref<32x25x5x80xi32, #tpu.memory_space<hbm>> -> memref<1x1x5x80xi32, #tpu.memory_space<hbm>>
      %dma_wait3A_193 = tpu.memref_squeeze %dma_wait3A_192 : memref<1x1x5x80xi32, #tpu.memory_space<hbm>> -> memref<5x80xi32, #tpu.memory_space<hbm>>
      tpu.wait_dma2 semaphore(%run_scoped3A_141 : memref<!tpu.dma_semaphore, #tpu.memory_space<semaphore_mem>>) src(%dma_wait3A_193 : memref<5x80xi32, #tpu.memory_space<hbm>>) dst(%dma_wait3A_183 : memref<5x80xi32, #tpu.memory_space<vmem>>)
      tpu.yield
    }) : () -> ()
    %run_scoped3A_4 = arith.constant 0 : i32
    %run_scoped3A_5 = arith.constant 0 : i32
    "tpu.region"() ({
      %run_scoped3A_141 = tpu.sem_alloc : memref<!tpu.dma_semaphore, #tpu.memory_space<semaphore_mem>>
      %dma_start3A_142 = arith.constant 0 : i32
      %dma_start3A_143 = arith.constant 0 : i32
      %dma_start3A_144 = tpu.memref_slice %arg9[%dma_start3A_142, %dma_start3A_143] : memref<10x80xi32, #tpu.memory_space<vmem>> -> memref<5x80xi32, #tpu.memory_space<vmem>>
      %dma_start3A_145 = arith.constant 0 : i32
      %dma_start3A_146 = arith.constant 0 : i32
      %dma_start3A_147 = arith.constant 0 : i32
      %dma_start3A_148 = arith.constant 0 : i32
      %dma_start3A_149 = tpu.memref_slice %arg3[%run_scoped3A_4, %dma_start3A_145, %dma_start3A_146, %dma_start3A_147, %dma_start3A_148] : memref<2x32x25x5x80xi32, #tpu.memory_space<hbm>> -> memref<1x32x25x5x80xi32, #tpu.memory_space<hbm>>
      %dma_start3A_150 = tpu.memref_squeeze %dma_start3A_149 : memref<1x32x25x5x80xi32, #tpu.memory_space<hbm>> -> memref<32x25x5x80xi32, #tpu.memory_space<hbm>>
      %dma_start3A_151 = arith.constant 0 : i32
      %dma_start3A_152 = arith.constant 0 : i32
      %dma_start3A_153 = tpu.memref_slice %dma_start3A_150[%add3A, %run_scoped3A_5, %dma_start3A_151, %dma_start3A_152] : memref<32x25x5x80xi32, #tpu.memory_space<hbm>> -> memref<1x1x5x80xi32, #tpu.memory_space<hbm>>
      %dma_start3A_154 = tpu.memref_squeeze %dma_start3A_153 : memref<1x1x5x80xi32, #tpu.memory_space<hbm>> -> memref<5x80xi32, #tpu.memory_space<hbm>>
      %dma_start3A_155 = arith.constant 0 : i32
      %dma_start3A_156 = arith.constant 0 : i32
      %dma_start3A_157 = tpu.memref_slice %arg9[%dma_start3A_155, %dma_start3A_156] : memref<10x80xi32, #tpu.memory_space<vmem>> -> memref<5x80xi32, #tpu.memory_space<vmem>>
      %dma_start3A_158 = arith.constant 0 : i32
      %dma_start3A_159 = arith.constant 0 : i32
      %dma_start3A_160 = arith.constant 0 : i32
      %dma_start3A_161 = arith.constant 0 : i32
      %dma_start3A_162 = tpu.memref_slice %arg3[%run_scoped3A_4, %dma_start3A_158, %dma_start3A_159, %dma_start3A_160, %dma_start3A_161] : memref<2x32x25x5x80xi32, #tpu.memory_space<hbm>> -> memref<1x32x25x5x80xi32, #tpu.memory_space<hbm>>
      %dma_start3A_163 = tpu.memref_squeeze %dma_start3A_162 : memref<1x32x25x5x80xi32, #tpu.memory_space<hbm>> -> memref<32x25x5x80xi32, #tpu.memory_space<hbm>>
      %dma_start3A_164 = arith.constant 0 : i32
      %dma_start3A_165 = arith.constant 0 : i32
      %dma_start3A_166 = tpu.memref_slice %dma_start3A_163[%add3A, %run_scoped3A_5, %dma_start3A_164, %dma_start3A_165] : memref<32x25x5x80xi32, #tpu.memory_space<hbm>> -> memref<1x1x5x80xi32, #tpu.memory_space<hbm>>
      %dma_start3A_167 = tpu.memref_squeeze %dma_start3A_166 : memref<1x1x5x80xi32, #tpu.memory_space<hbm>> -> memref<5x80xi32, #tpu.memory_space<hbm>>
      tpu.enqueue_dma source(%dma_start3A_167 : memref<5x80xi32, #tpu.memory_space<hbm>>) target(%dma_start3A_157 : memref<5x80xi32, #tpu.memory_space<vmem>>) target_semaphore(%run_scoped3A_141 : memref<!tpu.dma_semaphore, #tpu.memory_space<semaphore_mem>>)
      %dma_wait3A_168 = arith.constant 0 : i32
      %dma_wait3A_169 = arith.constant 0 : i32
      %dma_wait3A_170 = tpu.memref_slice %arg9[%dma_wait3A_168, %dma_wait3A_169] : memref<10x80xi32, #tpu.memory_space<vmem>> -> memref<5x80xi32, #tpu.memory_space<vmem>>
      %dma_wait3A_171 = arith.constant 0 : i32
      %dma_wait3A_172 = arith.constant 0 : i32
      %dma_wait3A_173 = arith.constant 0 : i32
      %dma_wait3A_174 = arith.constant 0 : i32
      %dma_wait3A_175 = tpu.memref_slice %arg3[%run_scoped3A_4, %dma_wait3A_171, %dma_wait3A_172, %dma_wait3A_173, %dma_wait3A_174] : memref<2x32x25x5x80xi32, #tpu.memory_space<hbm>> -> memref<1x32x25x5x80xi32, #tpu.memory_space<hbm>>
      %dma_wait3A_176 = tpu.memref_squeeze %dma_wait3A_175 : memref<1x32x25x5x80xi32, #tpu.memory_space<hbm>> -> memref<32x25x5x80xi32, #tpu.memory_space<hbm>>
      %dma_wait3A_177 = arith.constant 0 : i32
      %dma_wait3A_178 = arith.constant 0 : i32
      %dma_wait3A_179 = tpu.memref_slice %dma_wait3A_176[%add3A, %run_scoped3A_5, %dma_wait3A_177, %dma_wait3A_178] : memref<32x25x5x80xi32, #tpu.memory_space<hbm>> -> memref<1x1x5x80xi32, #tpu.memory_space<hbm>>
      %dma_wait3A_180 = tpu.memref_squeeze %dma_wait3A_179 : memref<1x1x5x80xi32, #tpu.memory_space<hbm>> -> memref<5x80xi32, #tpu.memory_space<hbm>>
      %dma_wait3A_181 = arith.constant 0 : i32
      %dma_wait3A_182 = arith.constant 0 : i32
      %dma_wait3A_183 = tpu.memref_slice %arg9[%dma_wait3A_181, %dma_wait3A_182] : memref<10x80xi32, #tpu.memory_space<vmem>> -> memref<5x80xi32, #tpu.memory_space<vmem>>
      %dma_wait3A_184 = arith.constant 0 : i32
      %dma_wait3A_185 = arith.constant 0 : i32
      %dma_wait3A_186 = arith.constant 0 : i32
      %dma_wait3A_187 = arith.constant 0 : i32
      %dma_wait3A_188 = tpu.memref_slice %arg3[%run_scoped3A_4, %dma_wait3A_184, %dma_wait3A_185, %dma_wait3A_186, %dma_wait3A_187] : memref<2x32x25x5x80xi32, #tpu.memory_space<hbm>> -> memref<1x32x25x5x80xi32, #tpu.memory_space<hbm>>
      %dma_wait3A_189 = tpu.memref_squeeze %dma_wait3A_188 : memref<1x32x25x5x80xi32, #tpu.memory_space<hbm>> -> memref<32x25x5x80xi32, #tpu.memory_space<hbm>>
      %dma_wait3A_190 = arith.constant 0 : i32
      %dma_wait3A_191 = arith.constant 0 : i32
      %dma_wait3A_192 = tpu.memref_slice %dma_wait3A_189[%add3A, %run_scoped3A_5, %dma_wait3A_190, %dma_wait3A_191] : memref<32x25x5x80xi32, #tpu.memory_space<hbm>> -> memref<1x1x5x80xi32, #tpu.memory_space<hbm>>
      %dma_wait3A_193 = tpu.memref_squeeze %dma_wait3A_192 : memref<1x1x5x80xi32, #tpu.memory_space<hbm>> -> memref<5x80xi32, #tpu.memory_space<hbm>>
      tpu.wait_dma2 semaphore(%run_scoped3A_141 : memref<!tpu.dma_semaphore, #tpu.memory_space<semaphore_mem>>) src(%dma_wait3A_193 : memref<5x80xi32, #tpu.memory_space<hbm>>) dst(%dma_wait3A_183 : memref<5x80xi32, #tpu.memory_space<vmem>>)
      tpu.yield
    }) : () -> ()
    %dma_start3A = arith.constant 1 : i32
    %dma_start3A_6 = arith.constant 1 : i32
    %dma_start3A_7 = arith.constant 5 : i32
    %dma_start3A_8 = arith.constant 0 : i32
    %dma_start3A_9 = tpu.memref_slice %arg8[%dma_start3A_7, %dma_start3A_8] : memref<10x80xi32, #tpu.memory_space<vmem>> -> memref<5x80xi32, #tpu.memory_space<vmem>>
    %dma_start3A_10 = arith.constant 0 : i32
    %dma_start3A_11 = arith.constant 0 : i32
    %dma_start3A_12 = arith.constant 0 : i32
    %dma_start3A_13 = arith.constant 0 : i32
    %dma_start3A_14 = tpu.memref_slice %arg3[%dma_start3A, %dma_start3A_10, %dma_start3A_11, %dma_start3A_12, %dma_start3A_13] : memref<2x32x25x5x80xi32, #tpu.memory_space<hbm>> -> memref<1x32x25x5x80xi32, #tpu.memory_space<hbm>>
    %dma_start3A_15 = tpu.memref_squeeze %dma_start3A_14 : memref<1x32x25x5x80xi32, #tpu.memory_space<hbm>> -> memref<32x25x5x80xi32, #tpu.memory_space<hbm>>
    %dma_start3A_16 = arith.constant 0 : i32
    %dma_start3A_17 = arith.constant 0 : i32
    %dma_start3A_18 = tpu.memref_slice %dma_start3A_15[%add3A, %dma_start3A_6, %dma_start3A_16, %dma_start3A_17] : memref<32x25x5x80xi32, #tpu.memory_space<hbm>> -> memref<1x1x5x80xi32, #tpu.memory_space<hbm>>
    %dma_start3A_19 = tpu.memref_squeeze %dma_start3A_18 : memref<1x1x5x80xi32, #tpu.memory_space<hbm>> -> memref<5x80xi32, #tpu.memory_space<hbm>>
    %dma_start3A_20 = arith.constant 5 : i32
    %dma_start3A_21 = arith.constant 0 : i32
    %dma_start3A_22 = tpu.memref_slice %arg8[%dma_start3A_20, %dma_start3A_21] : memref<10x80xi32, #tpu.memory_space<vmem>> -> memref<5x80xi32, #tpu.memory_space<vmem>>
    %dma_start3A_23 = arith.constant 0 : i32
    %dma_start3A_24 = arith.constant 0 : i32
    %dma_start3A_25 = arith.constant 0 : i32
    %dma_start3A_26 = arith.constant 0 : i32
    %dma_start3A_27 = tpu.memref_slice %arg3[%dma_start3A, %dma_start3A_23, %dma_start3A_24, %dma_start3A_25, %dma_start3A_26] : memref<2x32x25x5x80xi32, #tpu.memory_space<hbm>> -> memref<1x32x25x5x80xi32, #tpu.memory_space<hbm>>
    %dma_start3A_28 = tpu.memref_squeeze %dma_start3A_27 : memref<1x32x25x5x80xi32, #tpu.memory_space<hbm>> -> memref<32x25x5x80xi32, #tpu.memory_space<hbm>>
    %dma_start3A_29 = arith.constant 0 : i32
    %dma_start3A_30 = arith.constant 0 : i32
    %dma_start3A_31 = tpu.memref_slice %dma_start3A_28[%add3A, %dma_start3A_6, %dma_start3A_29, %dma_start3A_30] : memref<32x25x5x80xi32, #tpu.memory_space<hbm>> -> memref<1x1x5x80xi32, #tpu.memory_space<hbm>>
    %dma_start3A_32 = tpu.memref_squeeze %dma_start3A_31 : memref<1x1x5x80xi32, #tpu.memory_space<hbm>> -> memref<5x80xi32, #tpu.memory_space<hbm>>
    tpu.enqueue_dma source(%dma_start3A_32 : memref<5x80xi32, #tpu.memory_space<hbm>>) target(%dma_start3A_22 : memref<5x80xi32, #tpu.memory_space<vmem>>) target_semaphore(%arg15 : memref<!tpu.dma_semaphore, #tpu.memory_space<semaphore_mem>>)
    %dma_start3A_33 = arith.constant 0 : i32
    %dma_start3A_34 = arith.constant 1 : i32
    %dma_start3A_35 = arith.constant 5 : i32
    %dma_start3A_36 = arith.constant 0 : i32
    %dma_start3A_37 = tpu.memref_slice %arg9[%dma_start3A_35, %dma_start3A_36] : memref<10x80xi32, #tpu.memory_space<vmem>> -> memref<5x80xi32, #tpu.memory_space<vmem>>
    %dma_start3A_38 = arith.constant 0 : i32
    %dma_start3A_39 = arith.constant 0 : i32
    %dma_start3A_40 = arith.constant 0 : i32
    %dma_start3A_41 = arith.constant 0 : i32
    %dma_start3A_42 = tpu.memref_slice %arg3[%dma_start3A_33, %dma_start3A_38, %dma_start3A_39, %dma_start3A_40, %dma_start3A_41] : memref<2x32x25x5x80xi32, #tpu.memory_space<hbm>> -> memref<1x32x25x5x80xi32, #tpu.memory_space<hbm>>
    %dma_start3A_43 = tpu.memref_squeeze %dma_start3A_42 : memref<1x32x25x5x80xi32, #tpu.memory_space<hbm>> -> memref<32x25x5x80xi32, #tpu.memory_space<hbm>>
    %dma_start3A_44 = arith.constant 0 : i32
    %dma_start3A_45 = arith.constant 0 : i32
    %dma_start3A_46 = tpu.memref_slice %dma_start3A_43[%add3A, %dma_start3A_34, %dma_start3A_44, %dma_start3A_45] : memref<32x25x5x80xi32, #tpu.memory_space<hbm>> -> memref<1x1x5x80xi32, #tpu.memory_space<hbm>>
    %dma_start3A_47 = tpu.memref_squeeze %dma_start3A_46 : memref<1x1x5x80xi32, #tpu.memory_space<hbm>> -> memref<5x80xi32, #tpu.memory_space<hbm>>
    %dma_start3A_48 = arith.constant 5 : i32
    %dma_start3A_49 = arith.constant 0 : i32
    %dma_start3A_50 = tpu.memref_slice %arg9[%dma_start3A_48, %dma_start3A_49] : memref<10x80xi32, #tpu.memory_space<vmem>> -> memref<5x80xi32, #tpu.memory_space<vmem>>
    %dma_start3A_51 = arith.constant 0 : i32
    %dma_start3A_52 = arith.constant 0 : i32
    %dma_start3A_53 = arith.constant 0 : i32
    %dma_start3A_54 = arith.constant 0 : i32
    %dma_start3A_55 = tpu.memref_slice %arg3[%dma_start3A_33, %dma_start3A_51, %dma_start3A_52, %dma_start3A_53, %dma_start3A_54] : memref<2x32x25x5x80xi32, #tpu.memory_space<hbm>> -> memref<1x32x25x5x80xi32, #tpu.memory_space<hbm>>
    %dma_start3A_56 = tpu.memref_squeeze %dma_start3A_55 : memref<1x32x25x5x80xi32, #tpu.memory_space<hbm>> -> memref<32x25x5x80xi32, #tpu.memory_space<hbm>>
    %dma_start3A_57 = arith.constant 0 : i32
    %dma_start3A_58 = arith.constant 0 : i32
    %dma_start3A_59 = tpu.memref_slice %dma_start3A_56[%add3A, %dma_start3A_34, %dma_start3A_57, %dma_start3A_58] : memref<32x25x5x80xi32, #tpu.memory_space<hbm>> -> memref<1x1x5x80xi32, #tpu.memory_space<hbm>>
    %dma_start3A_60 = tpu.memref_squeeze %dma_start3A_59 : memref<1x1x5x80xi32, #tpu.memory_space<hbm>> -> memref<5x80xi32, #tpu.memory_space<hbm>>
    tpu.enqueue_dma source(%dma_start3A_60 : memref<5x80xi32, #tpu.memory_space<hbm>>) target(%dma_start3A_50 : memref<5x80xi32, #tpu.memory_space<vmem>>) target_semaphore(%arg16 : memref<!tpu.dma_semaphore, #tpu.memory_space<semaphore_mem>>)
    %broadcast_in_dim3A = arith.constant 1.000000e+00 : f32
    %broadcast_in_dim3A_61 = vector.broadcast %broadcast_in_dim3A : f32 to vector<16xf32>
    %dma_start3A_62 = arith.constant 0 : i32
    %dma_start3A_63 = arith.constant 0 : i32
    %dma_start3A_64 = arith.constant 0 : i32
    %dma_start3A_65 = arith.constant 0 : i32
    %dma_start3A_66 = tpu.memref_slice %arg10[%dma_start3A_64, %dma_start3A_65] : memref<240x128xf32, #tpu.memory_space<vmem>> -> memref<80x128xf32, #tpu.memory_space<vmem>>
    %dma_start3A_67 = arith.constant 0 : i32
    %dma_start3A_68 = tpu.memref_slice %arg8[%dma_start3A_62, %dma_start3A_67] : memref<10x80xi32, #tpu.memory_space<vmem>> -> memref<1x80xi32, #tpu.memory_space<vmem>>
    %dma_start3A_69 = tpu.memref_squeeze %dma_start3A_68 : memref<1x80xi32, #tpu.memory_space<vmem>> -> memref<80xi32, #tpu.memory_space<vmem>>
    %dma_start3A_70 = arith.constant 0 : i32
    %dma_start3A_71 = arith.constant 0 : i32
    %dma_start3A_72 = tpu.memref_slice %arg2[%dma_start3A_70, %dma_start3A_71] : memref<10000x128xf32, #tpu.memory_space<hbm>> -> memref<10000x128xf32, #tpu.memory_space<hbm>>
    %dma_start3A_73 = tpu.memref_slice %arg13[%dma_start3A_63] : memref<3x!tpu.dma_semaphore, #tpu.memory_space<semaphore_mem>> -> memref<1x!tpu.dma_semaphore, #tpu.memory_space<semaphore_mem>>
    %dma_start3A_74 = tpu.memref_squeeze %dma_start3A_73 : memref<1x!tpu.dma_semaphore, #tpu.memory_space<semaphore_mem>> -> memref<!tpu.dma_semaphore, #tpu.memory_space<semaphore_mem>>
    tpu.enqueue_indirect_dma source(%dma_start3A_72 : memref<10000x128xf32, #tpu.memory_space<hbm>>) target(%dma_start3A_66 : memref<80x128xf32, #tpu.memory_space<vmem>>) offsets(%dma_start3A_69 : memref<80xi32, #tpu.memory_space<vmem>>) semaphore(%dma_start3A_74 : memref<!tpu.dma_semaphore, #tpu.memory_space<semaphore_mem>>)
    %dma_start3A_75 = arith.constant 1 : i32
    %dma_start3A_76 = arith.constant 1 : i32
    %dma_start3A_77 = arith.constant 80 : i32
    %dma_start3A_78 = arith.constant 0 : i32
    %dma_start3A_79 = tpu.memref_slice %arg10[%dma_start3A_77, %dma_start3A_78] : memref<240x128xf32, #tpu.memory_space<vmem>> -> memref<80x128xf32, #tpu.memory_space<vmem>>
    %dma_start3A_80 = arith.constant 0 : i32
    %dma_start3A_81 = tpu.memref_slice %arg8[%dma_start3A_75, %dma_start3A_80] : memref<10x80xi32, #tpu.memory_space<vmem>> -> memref<1x80xi32, #tpu.memory_space<vmem>>
    %dma_start3A_82 = tpu.memref_squeeze %dma_start3A_81 : memref<1x80xi32, #tpu.memory_space<vmem>> -> memref<80xi32, #tpu.memory_space<vmem>>
    %dma_start3A_83 = arith.constant 0 : i32
    %dma_start3A_84 = arith.constant 0 : i32
    %dma_start3A_85 = tpu.memref_slice %arg2[%dma_start3A_83, %dma_start3A_84] : memref<10000x128xf32, #tpu.memory_space<hbm>> -> memref<10000x128xf32, #tpu.memory_space<hbm>>
    %dma_start3A_86 = tpu.memref_slice %arg13[%dma_start3A_76] : memref<3x!tpu.dma_semaphore, #tpu.memory_space<semaphore_mem>> -> memref<1x!tpu.dma_semaphore, #tpu.memory_space<semaphore_mem>>
    %dma_start3A_87 = tpu.memref_squeeze %dma_start3A_86 : memref<1x!tpu.dma_semaphore, #tpu.memory_space<semaphore_mem>> -> memref<!tpu.dma_semaphore, #tpu.memory_space<semaphore_mem>>
    tpu.enqueue_indirect_dma source(%dma_start3A_85 : memref<10000x128xf32, #tpu.memory_space<hbm>>) target(%dma_start3A_79 : memref<80x128xf32, #tpu.memory_space<vmem>>) offsets(%dma_start3A_82 : memref<80xi32, #tpu.memory_space<vmem>>) semaphore(%dma_start3A_87 : memref<!tpu.dma_semaphore, #tpu.memory_space<semaphore_mem>>)
    %scan3A = arith.constant 0 : i32
    %scan3A_88 = arith.constant 1 : i32
    %scan3A_89 = arith.constant 0 : i32
    %scan3A_90 = arith.constant 0 : i32
    %scan3A_91 = arith.constant 125 : i32
    %scan3A_92 = arith.addi %scan3A_90, %scan3A_91 : i32
    %scan3A_93 = arith.constant 1 : i32
    scf.for %scan3A_141 = %scan3A_90 to %scan3A_92 step %scan3A_93  : i32 {
      %jit3A = arith.constant 5 : i32
      %div3A = arith.divsi %scan3A_141, %jit3A : i32
      %sign3A = arith.constant 0 : i32
      %sign3A_142 = arith.cmpi sgt, %scan3A_141, %sign3A : i32
      %sign3A_143 = arith.extui %sign3A_142 : i1 to i32
      %sign3A_144 = arith.constant 0 : i32
      %sign3A_145 = arith.cmpi slt, %scan3A_141, %sign3A_144 : i32
      %sign3A_146 = arith.extui %sign3A_145 : i1 to i32
      %sign3A_147 = arith.subi %sign3A_143, %sign3A_146 : i32
      %sign3A_148 = arith.constant 0 : i32
      %sign3A_149 = arith.cmpi sgt, %jit3A, %sign3A_148 : i32
      %sign3A_150 = arith.extui %sign3A_149 : i1 to i32
      %sign3A_151 = arith.constant 0 : i32
      %sign3A_152 = arith.cmpi slt, %jit3A, %sign3A_151 : i32
      %sign3A_153 = arith.extui %sign3A_152 : i1 to i32
      %sign3A_154 = arith.subi %sign3A_150, %sign3A_153 : i32
      %ne3A = arith.cmpi ne, %sign3A_147, %sign3A_154 : i32
      %rem3A = arith.remsi %scan3A_141, %jit3A : i32
      %ne3A_155 = arith.constant 0 : i32
      %ne3A_156 = arith.cmpi ne, %rem3A, %ne3A_155 : i32
      %and3A = arith.andi %ne3A, %ne3A_156 : i1
      %sub3A = arith.constant 1 : i32
      %sub3A_157 = arith.subi %div3A, %sub3A : i32
      %select_n3A = arith.select %and3A, %sub3A_157, %div3A : i32
      %mul3A_158 = arith.constant 5 : i32
      %mul3A_159 = arith.muli %select_n3A, %mul3A_158 : i32
      %sub3A_160 = arith.subi %scan3A_141, %mul3A_159 : i32
      %rem3A_161 = arith.constant 2 : i32
      %rem3A_162 = arith.remsi %select_n3A, %rem3A_161 : i32
      %rem3A_163 = arith.constant 3 : i32
      %rem3A_164 = arith.remsi %scan3A_141, %rem3A_163 : i32
      %eq3A = arith.constant 3 : i32
      %eq3A_165 = arith.cmpi eq, %sub3A_160, %eq3A : i32
      %add3A_166 = arith.constant 1 : i32
      %add3A_167 = arith.addi %select_n3A, %add3A_166 : i32
      %lt3A = arith.constant 25 : i32
      %lt3A_168 = arith.cmpi slt, %add3A_167, %lt3A : i32
      %and3A_169 = arith.andi %eq3A_165, %lt3A_168 : i1
      %convert_element_type3A = arith.extui %and3A_169 : i1 to i32
      %cond3A = arith.constant 0 : i32
      %cond3A_170 = arith.cmpi ne, %convert_element_type3A, %cond3A : i32
      scf.if %cond3A_170 {
        %add3A_238 = arith.constant 1 : i32
        %add3A_239 = arith.addi %select_n3A, %add3A_238 : i32
        %sub3A_240 = arith.constant 1 : i32
        %sub3A_241 = arith.subi %sub3A_240, %rem3A_162 : i32
        %mul3A_242 = arith.constant 5 : i32
        %mul3A_243 = arith.muli %sub3A_241, %mul3A_242 : i32
        %dma_wait3A_244 = arith.constant 0 : i32
        %dma_wait3A_245 = tpu.memref_slice %arg8[%mul3A_243, %dma_wait3A_244] : memref<10x80xi32, #tpu.memory_space<vmem>> -> memref<5x80xi32, #tpu.memory_space<vmem>>
        %dma_wait3A_246 = arith.constant 0 : i32
        %dma_wait3A_247 = arith.constant 0 : i32
        %dma_wait3A_248 = arith.constant 0 : i32
        %dma_wait3A_249 = arith.constant 0 : i32
        %dma_wait3A_250 = tpu.memref_slice %arg3[%scan3A_88, %dma_wait3A_246, %dma_wait3A_247, %dma_wait3A_248, %dma_wait3A_249] : memref<2x32x25x5x80xi32, #tpu.memory_space<hbm>> -> memref<1x32x25x5x80xi32, #tpu.memory_space<hbm>>
        %dma_wait3A_251 = tpu.memref_squeeze %dma_wait3A_250 : memref<1x32x25x5x80xi32, #tpu.memory_space<hbm>> -> memref<32x25x5x80xi32, #tpu.memory_space<hbm>>
        %dma_wait3A_252 = arith.constant 0 : i32
        %dma_wait3A_253 = arith.constant 0 : i32
        %dma_wait3A_254 = tpu.memref_slice %dma_wait3A_251[%add3A, %add3A_239, %dma_wait3A_252, %dma_wait3A_253] : memref<32x25x5x80xi32, #tpu.memory_space<hbm>> -> memref<1x1x5x80xi32, #tpu.memory_space<hbm>>
        %dma_wait3A_255 = tpu.memref_squeeze %dma_wait3A_254 : memref<1x1x5x80xi32, #tpu.memory_space<hbm>> -> memref<5x80xi32, #tpu.memory_space<hbm>>
        %dma_wait3A_256 = arith.constant 0 : i32
        %dma_wait3A_257 = tpu.memref_slice %arg8[%mul3A_243, %dma_wait3A_256] : memref<10x80xi32, #tpu.memory_space<vmem>> -> memref<5x80xi32, #tpu.memory_space<vmem>>
        %dma_wait3A_258 = arith.constant 0 : i32
        %dma_wait3A_259 = arith.constant 0 : i32
        %dma_wait3A_260 = arith.constant 0 : i32
        %dma_wait3A_261 = arith.constant 0 : i32
        %dma_wait3A_262 = tpu.memref_slice %arg3[%scan3A_88, %dma_wait3A_258, %dma_wait3A_259, %dma_wait3A_260, %dma_wait3A_261] : memref<2x32x25x5x80xi32, #tpu.memory_space<hbm>> -> memref<1x32x25x5x80xi32, #tpu.memory_space<hbm>>
        %dma_wait3A_263 = tpu.memref_squeeze %dma_wait3A_262 : memref<1x32x25x5x80xi32, #tpu.memory_space<hbm>> -> memref<32x25x5x80xi32, #tpu.memory_space<hbm>>
        %dma_wait3A_264 = arith.constant 0 : i32
        %dma_wait3A_265 = arith.constant 0 : i32
        %dma_wait3A_266 = tpu.memref_slice %dma_wait3A_263[%add3A, %add3A_239, %dma_wait3A_264, %dma_wait3A_265] : memref<32x25x5x80xi32, #tpu.memory_space<hbm>> -> memref<1x1x5x80xi32, #tpu.memory_space<hbm>>
        %dma_wait3A_267 = tpu.memref_squeeze %dma_wait3A_266 : memref<1x1x5x80xi32, #tpu.memory_space<hbm>> -> memref<5x80xi32, #tpu.memory_space<hbm>>
        tpu.wait_dma2 semaphore(%arg15 : memref<!tpu.dma_semaphore, #tpu.memory_space<semaphore_mem>>) src(%dma_wait3A_267 : memref<5x80xi32, #tpu.memory_space<hbm>>) dst(%dma_wait3A_257 : memref<5x80xi32, #tpu.memory_space<vmem>>)
        %add3A_268 = arith.constant 1 : i32
        %add3A_269 = arith.addi %select_n3A, %add3A_268 : i32
        %sub3A_270 = arith.constant 1 : i32
        %sub3A_271 = arith.subi %sub3A_270, %rem3A_162 : i32
        %mul3A_272 = arith.constant 5 : i32
        %mul3A_273 = arith.muli %sub3A_271, %mul3A_272 : i32
        %dma_wait3A_274 = arith.constant 0 : i32
        %dma_wait3A_275 = tpu.memref_slice %arg9[%mul3A_273, %dma_wait3A_274] : memref<10x80xi32, #tpu.memory_space<vmem>> -> memref<5x80xi32, #tpu.memory_space<vmem>>
        %dma_wait3A_276 = arith.constant 0 : i32
        %dma_wait3A_277 = arith.constant 0 : i32
        %dma_wait3A_278 = arith.constant 0 : i32
        %dma_wait3A_279 = arith.constant 0 : i32
        %dma_wait3A_280 = tpu.memref_slice %arg3[%scan3A_89, %dma_wait3A_276, %dma_wait3A_277, %dma_wait3A_278, %dma_wait3A_279] : memref<2x32x25x5x80xi32, #tpu.memory_space<hbm>> -> memref<1x32x25x5x80xi32, #tpu.memory_space<hbm>>
        %dma_wait3A_281 = tpu.memref_squeeze %dma_wait3A_280 : memref<1x32x25x5x80xi32, #tpu.memory_space<hbm>> -> memref<32x25x5x80xi32, #tpu.memory_space<hbm>>
        %dma_wait3A_282 = arith.constant 0 : i32
        %dma_wait3A_283 = arith.constant 0 : i32
        %dma_wait3A_284 = tpu.memref_slice %dma_wait3A_281[%add3A, %add3A_269, %dma_wait3A_282, %dma_wait3A_283] : memref<32x25x5x80xi32, #tpu.memory_space<hbm>> -> memref<1x1x5x80xi32, #tpu.memory_space<hbm>>
        %dma_wait3A_285 = tpu.memref_squeeze %dma_wait3A_284 : memref<1x1x5x80xi32, #tpu.memory_space<hbm>> -> memref<5x80xi32, #tpu.memory_space<hbm>>
        %dma_wait3A_286 = arith.constant 0 : i32
        %dma_wait3A_287 = tpu.memref_slice %arg9[%mul3A_273, %dma_wait3A_286] : memref<10x80xi32, #tpu.memory_space<vmem>> -> memref<5x80xi32, #tpu.memory_space<vmem>>
        %dma_wait3A_288 = arith.constant 0 : i32
        %dma_wait3A_289 = arith.constant 0 : i32
        %dma_wait3A_290 = arith.constant 0 : i32
        %dma_wait3A_291 = arith.constant 0 : i32
        %dma_wait3A_292 = tpu.memref_slice %arg3[%scan3A_89, %dma_wait3A_288, %dma_wait3A_289, %dma_wait3A_290, %dma_wait3A_291] : memref<2x32x25x5x80xi32, #tpu.memory_space<hbm>> -> memref<1x32x25x5x80xi32, #tpu.memory_space<hbm>>
        %dma_wait3A_293 = tpu.memref_squeeze %dma_wait3A_292 : memref<1x32x25x5x80xi32, #tpu.memory_space<hbm>> -> memref<32x25x5x80xi32, #tpu.memory_space<hbm>>
        %dma_wait3A_294 = arith.constant 0 : i32
        %dma_wait3A_295 = arith.constant 0 : i32
        %dma_wait3A_296 = tpu.memref_slice %dma_wait3A_293[%add3A, %add3A_269, %dma_wait3A_294, %dma_wait3A_295] : memref<32x25x5x80xi32, #tpu.memory_space<hbm>> -> memref<1x1x5x80xi32, #tpu.memory_space<hbm>>
        %dma_wait3A_297 = tpu.memref_squeeze %dma_wait3A_296 : memref<1x1x5x80xi32, #tpu.memory_space<hbm>> -> memref<5x80xi32, #tpu.memory_space<hbm>>
        tpu.wait_dma2 semaphore(%arg16 : memref<!tpu.dma_semaphore, #tpu.memory_space<semaphore_mem>>) src(%dma_wait3A_297 : memref<5x80xi32, #tpu.memory_space<hbm>>) dst(%dma_wait3A_287 : memref<5x80xi32, #tpu.memory_space<vmem>>)
      } else {
      }
      %mul3A_171 = arith.constant 5 : i32
      %mul3A_172 = arith.muli %rem3A_162, %mul3A_171 : i32
      %add3A_173 = arith.addi %mul3A_172, %sub3A_160 : i32
      %mul3A_174 = arith.constant 80 : i32
      %mul3A_175 = arith.muli %rem3A_164, %mul3A_174 : i32
      %dma_wait3A_176 = arith.constant 0 : i32
      %dma_wait3A_177 = tpu.memref_slice %arg10[%mul3A_175, %dma_wait3A_176] : memref<240x128xf32, #tpu.memory_space<vmem>> -> memref<80x128xf32, #tpu.memory_space<vmem>>
      %dma_wait3A_178 = arith.constant 0 : i32
      %dma_wait3A_179 = tpu.memref_slice %arg8[%add3A_173, %dma_wait3A_178] : memref<10x80xi32, #tpu.memory_space<vmem>> -> memref<1x80xi32, #tpu.memory_space<vmem>>
      %dma_wait3A_180 = tpu.memref_squeeze %dma_wait3A_179 : memref<1x80xi32, #tpu.memory_space<vmem>> -> memref<80xi32, #tpu.memory_space<vmem>>
      %dma_wait3A_181 = arith.constant 0 : i32
      %dma_wait3A_182 = arith.constant 0 : i32
      %dma_wait3A_183 = tpu.memref_slice %arg2[%dma_wait3A_181, %dma_wait3A_182] : memref<10000x128xf32, #tpu.memory_space<hbm>> -> memref<10000x128xf32, #tpu.memory_space<hbm>>
      %dma_wait3A_184 = tpu.memref_slice %arg13[%rem3A_164] : memref<3x!tpu.dma_semaphore, #tpu.memory_space<semaphore_mem>> -> memref<1x!tpu.dma_semaphore, #tpu.memory_space<semaphore_mem>>
      %dma_wait3A_185 = tpu.memref_squeeze %dma_wait3A_184 : memref<1x!tpu.dma_semaphore, #tpu.memory_space<semaphore_mem>> -> memref<!tpu.dma_semaphore, #tpu.memory_space<semaphore_mem>>
      tpu.wait_indirect_dma semaphore(%dma_wait3A_185 : memref<!tpu.dma_semaphore, #tpu.memory_space<semaphore_mem>>) src(%dma_wait3A_183 : memref<10000x128xf32, #tpu.memory_space<hbm>>) dst(%dma_wait3A_177 : memref<80x128xf32, #tpu.memory_space<vmem>>)
      %mul3A_186 = arith.constant 80 : i32
      %mul3A_187 = arith.muli %rem3A_164, %mul3A_186 : i32
      %dma_start3A_188 = arith.constant 0 : i32
      %dma_start3A_189 = tpu.memref_slice %arg10[%mul3A_187, %dma_start3A_188] : memref<240x128xf32, #tpu.memory_space<vmem>> -> memref<80x128xf32, #tpu.memory_space<vmem>>
      %dma_start3A_190 = arith.constant 0 : i32
      %dma_start3A_191 = tpu.memref_slice %arg9[%add3A_173, %dma_start3A_190] : memref<10x80xi32, #tpu.memory_space<vmem>> -> memref<1x80xi32, #tpu.memory_space<vmem>>
      %dma_start3A_192 = tpu.memref_squeeze %dma_start3A_191 : memref<1x80xi32, #tpu.memory_space<vmem>> -> memref<80xi32, #tpu.memory_space<vmem>>
      %dma_start3A_193 = arith.constant 0 : i32
      %dma_start3A_194 = arith.constant 0 : i32
      %dma_start3A_195 = tpu.memref_slice %arg12[%dma_start3A_193, %dma_start3A_194] : memref<10240x128xf32, #tpu.memory_space<vmem_shared>> -> memref<10240x128xf32, #tpu.memory_space<vmem_shared>>
      %dma_start3A_196 = tpu.memref_slice %arg14[%rem3A_164] : memref<3x!tpu.dma_semaphore, #tpu.memory_space<semaphore_mem>> -> memref<1x!tpu.dma_semaphore, #tpu.memory_space<semaphore_mem>>
      %dma_start3A_197 = tpu.memref_squeeze %dma_start3A_196 : memref<1x!tpu.dma_semaphore, #tpu.memory_space<semaphore_mem>> -> memref<!tpu.dma_semaphore, #tpu.memory_space<semaphore_mem>>
      tpu.enqueue_indirect_dma source(%dma_start3A_189 : memref<80x128xf32, #tpu.memory_space<vmem>>) target(%dma_start3A_195 : memref<10240x128xf32, #tpu.memory_space<vmem_shared>>) offsets(%dma_start3A_192 : memref<80xi32, #tpu.memory_space<vmem>>) semaphore(%dma_start3A_197 : memref<!tpu.dma_semaphore, #tpu.memory_space<semaphore_mem>>) {add = true}
      %get3A = arith.index_cast %add3A_173 : i32 to index
      %get3A_198 = arith.constant 0 : index
      %get3A_199 = tpu.vector_load %arg9[%get3A, %get3A_198] {strides = array<i32>} : memref<10x80xi32, #tpu.memory_space<vmem>>, vector<16xi32>,
      tpu.vector_store_idx %arg11[%get3A_199], %broadcast_in_dim3A_61 {add = true} : memref<10240xf32, #tpu.memory_space<vmem>>[vector<16xi32>], vector<16xf32>,
      %get3A_200 = arith.index_cast %add3A_173 : i32 to index
      %get3A_201 = arith.constant 16 : index
      %get3A_202 = tpu.vector_load %arg9[%get3A_200, %get3A_201] {strides = array<i32>} : memref<10x80xi32, #tpu.memory_space<vmem>>, vector<16xi32>,
      tpu.vector_store_idx %arg11[%get3A_202], %broadcast_in_dim3A_61 {add = true} : memref<10240xf32, #tpu.memory_space<vmem>>[vector<16xi32>], vector<16xf32>,
      %get3A_203 = arith.index_cast %add3A_173 : i32 to index
      %get3A_204 = arith.constant 32 : index
      %get3A_205 = tpu.vector_load %arg9[%get3A_203, %get3A_204] {strides = array<i32>} : memref<10x80xi32, #tpu.memory_space<vmem>>, vector<16xi32>,
      tpu.vector_store_idx %arg11[%get3A_205], %broadcast_in_dim3A_61 {add = true} : memref<10240xf32, #tpu.memory_space<vmem>>[vector<16xi32>], vector<16xf32>,
      %get3A_206 = arith.index_cast %add3A_173 : i32 to index
      %get3A_207 = arith.constant 48 : index
      %get3A_208 = tpu.vector_load %arg9[%get3A_206, %get3A_207] {strides = array<i32>} : memref<10x80xi32, #tpu.memory_space<vmem>>, vector<16xi32>,
      tpu.vector_store_idx %arg11[%get3A_208], %broadcast_in_dim3A_61 {add = true} : memref<10240xf32, #tpu.memory_space<vmem>>[vector<16xi32>], vector<16xf32>,
      %get3A_209 = arith.index_cast %add3A_173 : i32 to index
      %get3A_210 = arith.constant 64 : index
      %get3A_211 = tpu.vector_load %arg9[%get3A_209, %get3A_210] {strides = array<i32>} : memref<10x80xi32, #tpu.memory_space<vmem>>, vector<16xi32>,
      tpu.vector_store_idx %arg11[%get3A_211], %broadcast_in_dim3A_61 {add = true} : memref<10240xf32, #tpu.memory_space<vmem>>[vector<16xi32>], vector<16xf32>,
      %add3A_212 = arith.constant 2 : i32
      %add3A_213 = arith.addi %scan3A_141, %add3A_212 : i32
      %rem3A_214 = arith.constant 3 : i32
      %rem3A_215 = arith.remsi %add3A_213, %rem3A_214 : i32
      %lt3A_216 = arith.constant 125 : i32
      %lt3A_217 = arith.cmpi slt, %add3A_213, %lt3A_216 : i32
      %ge3A = arith.constant 1 : i32
      %ge3A_218 = arith.cmpi sge, %scan3A_141, %ge3A : i32
      %and3A_219 = arith.andi %lt3A_217, %ge3A_218 : i1
      %convert_element_type3A_220 = arith.extui %and3A_219 : i1 to i32
      %cond3A_221 = arith.constant 0 : i32
      %cond3A_222 = arith.cmpi ne, %convert_element_type3A_220, %cond3A_221 : i32
      scf.if %cond3A_222 {
        %mul3A_238 = arith.constant 80 : i32
        %mul3A_239 = arith.muli %rem3A_215, %mul3A_238 : i32
        %dma_wait3A_240 = arith.constant 0 : i32
        %dma_wait3A_241 = tpu.memref_slice %arg10[%mul3A_239, %dma_wait3A_240] : memref<240x128xf32, #tpu.memory_space<vmem>> -> memref<80x128xf32, #tpu.memory_space<vmem>>
        %dma_wait3A_242 = arith.constant 0 : i32
        %dma_wait3A_243 = tpu.memref_slice %arg9[%add3A_173, %dma_wait3A_242] : memref<10x80xi32, #tpu.memory_space<vmem>> -> memref<1x80xi32, #tpu.memory_space<vmem>>
        %dma_wait3A_244 = tpu.memref_squeeze %dma_wait3A_243 : memref<1x80xi32, #tpu.memory_space<vmem>> -> memref<80xi32, #tpu.memory_space<vmem>>
        %dma_wait3A_245 = arith.constant 0 : i32
        %dma_wait3A_246 = arith.constant 0 : i32
        %dma_wait3A_247 = tpu.memref_slice %arg12[%dma_wait3A_245, %dma_wait3A_246] : memref<10240x128xf32, #tpu.memory_space<vmem_shared>> -> memref<10240x128xf32, #tpu.memory_space<vmem_shared>>
        %dma_wait3A_248 = tpu.memref_slice %arg14[%rem3A_215] : memref<3x!tpu.dma_semaphore, #tpu.memory_space<semaphore_mem>> -> memref<1x!tpu.dma_semaphore, #tpu.memory_space<semaphore_mem>>
        %dma_wait3A_249 = tpu.memref_squeeze %dma_wait3A_248 : memref<1x!tpu.dma_semaphore, #tpu.memory_space<semaphore_mem>> -> memref<!tpu.dma_semaphore, #tpu.memory_space<semaphore_mem>>
        tpu.wait_indirect_dma semaphore(%dma_wait3A_249 : memref<!tpu.dma_semaphore, #tpu.memory_space<semaphore_mem>>) src(%dma_wait3A_241 : memref<80x128xf32, #tpu.memory_space<vmem>>) dst(%dma_wait3A_247 : memref<10240x128xf32, #tpu.memory_space<vmem_shared>>)
      } else {
      }
      %lt3A_223 = arith.constant 125 : i32
      %lt3A_224 = arith.cmpi slt, %add3A_213, %lt3A_223 : i32
      %convert_element_type3A_225 = arith.extui %lt3A_224 : i1 to i32
      %cond3A_226 = arith.constant 0 : i32
      %cond3A_227 = arith.cmpi ne, %convert_element_type3A_225, %cond3A_226 : i32
      scf.if %cond3A_227 {
        %jit3A_238 = arith.constant 5 : i32
        %div3A_239 = arith.divsi %add3A_213, %jit3A_238 : i32
        %sign3A_240 = arith.constant 0 : i32
        %sign3A_241 = arith.cmpi sgt, %add3A_213, %sign3A_240 : i32
        %sign3A_242 = arith.extui %sign3A_241 : i1 to i32
        %sign3A_243 = arith.constant 0 : i32
        %sign3A_244 = arith.cmpi slt, %add3A_213, %sign3A_243 : i32
        %sign3A_245 = arith.extui %sign3A_244 : i1 to i32
        %sign3A_246 = arith.subi %sign3A_242, %sign3A_245 : i32
        %sign3A_247 = arith.constant 0 : i32
        %sign3A_248 = arith.cmpi sgt, %jit3A_238, %sign3A_247 : i32
        %sign3A_249 = arith.extui %sign3A_248 : i1 to i32
        %sign3A_250 = arith.constant 0 : i32
        %sign3A_251 = arith.cmpi slt, %jit3A_238, %sign3A_250 : i32
        %sign3A_252 = arith.extui %sign3A_251 : i1 to i32
        %sign3A_253 = arith.subi %sign3A_249, %sign3A_252 : i32
        %ne3A_254 = arith.cmpi ne, %sign3A_246, %sign3A_253 : i32
        %rem3A_255 = arith.remsi %add3A_213, %jit3A_238 : i32
        %ne3A_256 = arith.constant 0 : i32
        %ne3A_257 = arith.cmpi ne, %rem3A_255, %ne3A_256 : i32
        %and3A_258 = arith.andi %ne3A_254, %ne3A_257 : i1
        %sub3A_259 = arith.constant 1 : i32
        %sub3A_260 = arith.subi %div3A_239, %sub3A_259 : i32
        %select_n3A_261 = arith.select %and3A_258, %sub3A_260, %div3A_239 : i32
        %mul3A_262 = arith.constant 5 : i32
        %mul3A_263 = arith.muli %select_n3A_261, %mul3A_262 : i32
        %sub3A_264 = arith.subi %add3A_213, %mul3A_263 : i32
        %rem3A_265 = arith.constant 2 : i32
        %rem3A_266 = arith.remsi %select_n3A_261, %rem3A_265 : i32
        %mul3A_267 = arith.constant 5 : i32
        %mul3A_268 = arith.muli %rem3A_266, %mul3A_267 : i32
        %add3A_269 = arith.addi %mul3A_268, %sub3A_264 : i32
        %mul3A_270 = arith.constant 80 : i32
        %mul3A_271 = arith.muli %rem3A_215, %mul3A_270 : i32
        %dma_start3A_272 = arith.constant 0 : i32
        %dma_start3A_273 = tpu.memref_slice %arg10[%mul3A_271, %dma_start3A_272] : memref<240x128xf32, #tpu.memory_space<vmem>> -> memref<80x128xf32, #tpu.memory_space<vmem>>
        %dma_start3A_274 = arith.constant 0 : i32
        %dma_start3A_275 = tpu.memref_slice %arg8[%add3A_269, %dma_start3A_274] : memref<10x80xi32, #tpu.memory_space<vmem>> -> memref<1x80xi32, #tpu.memory_space<vmem>>
        %dma_start3A_276 = tpu.memref_squeeze %dma_start3A_275 : memref<1x80xi32, #tpu.memory_space<vmem>> -> memref<80xi32, #tpu.memory_space<vmem>>
        %dma_start3A_277 = arith.constant 0 : i32
        %dma_start3A_278 = arith.constant 0 : i32
        %dma_start3A_279 = tpu.memref_slice %arg2[%dma_start3A_277, %dma_start3A_278] : memref<10000x128xf32, #tpu.memory_space<hbm>> -> memref<10000x128xf32, #tpu.memory_space<hbm>>
        %dma_start3A_280 = tpu.memref_slice %arg13[%rem3A_215] : memref<3x!tpu.dma_semaphore, #tpu.memory_space<semaphore_mem>> -> memref<1x!tpu.dma_semaphore, #tpu.memory_space<semaphore_mem>>
        %dma_start3A_281 = tpu.memref_squeeze %dma_start3A_280 : memref<1x!tpu.dma_semaphore, #tpu.memory_space<semaphore_mem>> -> memref<!tpu.dma_semaphore, #tpu.memory_space<semaphore_mem>>
        tpu.enqueue_indirect_dma source(%dma_start3A_279 : memref<10000x128xf32, #tpu.memory_space<hbm>>) target(%dma_start3A_273 : memref<80x128xf32, #tpu.memory_space<vmem>>) offsets(%dma_start3A_276 : memref<80xi32, #tpu.memory_space<vmem>>) semaphore(%dma_start3A_281 : memref<!tpu.dma_semaphore, #tpu.memory_space<semaphore_mem>>)
      } else {
      }
      %eq3A_228 = arith.constant 4 : i32
      %eq3A_229 = arith.cmpi eq, %sub3A_160, %eq3A_228 : i32
      %add3A_230 = arith.constant 2 : i32
      %add3A_231 = arith.addi %select_n3A, %add3A_230 : i32
      %lt3A_232 = arith.constant 25 : i32
      %lt3A_233 = arith.cmpi slt, %add3A_231, %lt3A_232 : i32
      %and3A_234 = arith.andi %eq3A_229, %lt3A_233 : i1
      %convert_element_type3A_235 = arith.extui %and3A_234 : i1 to i32
      %cond3A_236 = arith.constant 0 : i32
      %cond3A_237 = arith.cmpi ne, %convert_element_type3A_235, %cond3A_236 : i32
      scf.if %cond3A_237 {
        %add3A_238 = arith.constant 2 : i32
        %add3A_239 = arith.addi %select_n3A, %add3A_238 : i32
        %mul3A_240 = arith.constant 5 : i32
        %mul3A_241 = arith.muli %rem3A_162, %mul3A_240 : i32
        %dma_start3A_242 = arith.constant 0 : i32
        %dma_start3A_243 = tpu.memref_slice %arg8[%mul3A_241, %dma_start3A_242] : memref<10x80xi32, #tpu.memory_space<vmem>> -> memref<5x80xi32, #tpu.memory_space<vmem>>
        %dma_start3A_244 = arith.constant 0 : i32
        %dma_start3A_245 = arith.constant 0 : i32
        %dma_start3A_246 = arith.constant 0 : i32
        %dma_start3A_247 = arith.constant 0 : i32
        %dma_start3A_248 = tpu.memref_slice %arg3[%scan3A_88, %dma_start3A_244, %dma_start3A_245, %dma_start3A_246, %dma_start3A_247] : memref<2x32x25x5x80xi32, #tpu.memory_space<hbm>> -> memref<1x32x25x5x80xi32, #tpu.memory_space<hbm>>
        %dma_start3A_249 = tpu.memref_squeeze %dma_start3A_248 : memref<1x32x25x5x80xi32, #tpu.memory_space<hbm>> -> memref<32x25x5x80xi32, #tpu.memory_space<hbm>>
        %dma_start3A_250 = arith.constant 0 : i32
        %dma_start3A_251 = arith.constant 0 : i32
        %dma_start3A_252 = tpu.memref_slice %dma_start3A_249[%add3A, %add3A_239, %dma_start3A_250, %dma_start3A_251] : memref<32x25x5x80xi32, #tpu.memory_space<hbm>> -> memref<1x1x5x80xi32, #tpu.memory_space<hbm>>
        %dma_start3A_253 = tpu.memref_squeeze %dma_start3A_252 : memref<1x1x5x80xi32, #tpu.memory_space<hbm>> -> memref<5x80xi32, #tpu.memory_space<hbm>>
        %dma_start3A_254 = arith.constant 0 : i32
        %dma_start3A_255 = tpu.memref_slice %arg8[%mul3A_241, %dma_start3A_254] : memref<10x80xi32, #tpu.memory_space<vmem>> -> memref<5x80xi32, #tpu.memory_space<vmem>>
        %dma_start3A_256 = arith.constant 0 : i32
        %dma_start3A_257 = arith.constant 0 : i32
        %dma_start3A_258 = arith.constant 0 : i32
        %dma_start3A_259 = arith.constant 0 : i32
        %dma_start3A_260 = tpu.memref_slice %arg3[%scan3A_88, %dma_start3A_256, %dma_start3A_257, %dma_start3A_258, %dma_start3A_259] : memref<2x32x25x5x80xi32, #tpu.memory_space<hbm>> -> memref<1x32x25x5x80xi32, #tpu.memory_space<hbm>>
        %dma_start3A_261 = tpu.memref_squeeze %dma_start3A_260 : memref<1x32x25x5x80xi32, #tpu.memory_space<hbm>> -> memref<32x25x5x80xi32, #tpu.memory_space<hbm>>
        %dma_start3A_262 = arith.constant 0 : i32
        %dma_start3A_263 = arith.constant 0 : i32
        %dma_start3A_264 = tpu.memref_slice %dma_start3A_261[%add3A, %add3A_239, %dma_start3A_262, %dma_start3A_263] : memref<32x25x5x80xi32, #tpu.memory_space<hbm>> -> memref<1x1x5x80xi32, #tpu.memory_space<hbm>>
        %dma_start3A_265 = tpu.memref_squeeze %dma_start3A_264 : memref<1x1x5x80xi32, #tpu.memory_space<hbm>> -> memref<5x80xi32, #tpu.memory_space<hbm>>
        tpu.enqueue_dma source(%dma_start3A_265 : memref<5x80xi32, #tpu.memory_space<hbm>>) target(%dma_start3A_255 : memref<5x80xi32, #tpu.memory_space<vmem>>) target_semaphore(%arg15 : memref<!tpu.dma_semaphore, #tpu.memory_space<semaphore_mem>>)
        %add3A_266 = arith.constant 2 : i32
        %add3A_267 = arith.addi %select_n3A, %add3A_266 : i32
        %mul3A_268 = arith.constant 5 : i32
        %mul3A_269 = arith.muli %rem3A_162, %mul3A_268 : i32
        %dma_start3A_270 = arith.constant 0 : i32
        %dma_start3A_271 = tpu.memref_slice %arg9[%mul3A_269, %dma_start3A_270] : memref<10x80xi32, #tpu.memory_space<vmem>> -> memref<5x80xi32, #tpu.memory_space<vmem>>
        %dma_start3A_272 = arith.constant 0 : i32
        %dma_start3A_273 = arith.constant 0 : i32
        %dma_start3A_274 = arith.constant 0 : i32
        %dma_start3A_275 = arith.constant 0 : i32
        %dma_start3A_276 = tpu.memref_slice %arg3[%scan3A_89, %dma_start3A_272, %dma_start3A_273, %dma_start3A_274, %dma_start3A_275] : memref<2x32x25x5x80xi32, #tpu.memory_space<hbm>> -> memref<1x32x25x5x80xi32, #tpu.memory_space<hbm>>
        %dma_start3A_277 = tpu.memref_squeeze %dma_start3A_276 : memref<1x32x25x5x80xi32, #tpu.memory_space<hbm>> -> memref<32x25x5x80xi32, #tpu.memory_space<hbm>>
        %dma_start3A_278 = arith.constant 0 : i32
        %dma_start3A_279 = arith.constant 0 : i32
        %dma_start3A_280 = tpu.memref_slice %dma_start3A_277[%add3A, %add3A_267, %dma_start3A_278, %dma_start3A_279] : memref<32x25x5x80xi32, #tpu.memory_space<hbm>> -> memref<1x1x5x80xi32, #tpu.memory_space<hbm>>
        %dma_start3A_281 = tpu.memref_squeeze %dma_start3A_280 : memref<1x1x5x80xi32, #tpu.memory_space<hbm>> -> memref<5x80xi32, #tpu.memory_space<hbm>>
        %dma_start3A_282 = arith.constant 0 : i32
        %dma_start3A_283 = tpu.memref_slice %arg9[%mul3A_269, %dma_start3A_282] : memref<10x80xi32, #tpu.memory_space<vmem>> -> memref<5x80xi32, #tpu.memory_space<vmem>>
        %dma_start3A_284 = arith.constant 0 : i32
        %dma_start3A_285 = arith.constant 0 : i32
        %dma_start3A_286 = arith.constant 0 : i32
        %dma_start3A_287 = arith.constant 0 : i32
        %dma_start3A_288 = tpu.memref_slice %arg3[%scan3A_89, %dma_start3A_284, %dma_start3A_285, %dma_start3A_286, %dma_start3A_287] : memref<2x32x25x5x80xi32, #tpu.memory_space<hbm>> -> memref<1x32x25x5x80xi32, #tpu.memory_space<hbm>>
        %dma_start3A_289 = tpu.memref_squeeze %dma_start3A_288 : memref<1x32x25x5x80xi32, #tpu.memory_space<hbm>> -> memref<32x25x5x80xi32, #tpu.memory_space<hbm>>
        %dma_start3A_290 = arith.constant 0 : i32
        %dma_start3A_291 = arith.constant 0 : i32
        %dma_start3A_292 = tpu.memref_slice %dma_start3A_289[%add3A, %add3A_267, %dma_start3A_290, %dma_start3A_291] : memref<32x25x5x80xi32, #tpu.memory_space<hbm>> -> memref<1x1x5x80xi32, #tpu.memory_space<hbm>>
        %dma_start3A_293 = tpu.memref_squeeze %dma_start3A_292 : memref<1x1x5x80xi32, #tpu.memory_space<hbm>> -> memref<5x80xi32, #tpu.memory_space<hbm>>
        tpu.enqueue_dma source(%dma_start3A_293 : memref<5x80xi32, #tpu.memory_space<hbm>>) target(%dma_start3A_283 : memref<5x80xi32, #tpu.memory_space<vmem>>) target_semaphore(%arg16 : memref<!tpu.dma_semaphore, #tpu.memory_space<semaphore_mem>>)
      } else {
      }
    }
    %scan3A_94 = arith.constant 125 : i32
    %dma_wait3A = arith.constant 0 : i32
    %dma_wait3A_95 = arith.constant 0 : i32
    %dma_wait3A_96 = arith.constant 0 : i32
    %dma_wait3A_97 = arith.constant 0 : i32
    %dma_wait3A_98 = tpu.memref_slice %arg10[%dma_wait3A_96, %dma_wait3A_97] : memref<240x128xf32, #tpu.memory_space<vmem>> -> memref<80x128xf32, #tpu.memory_space<vmem>>
    %dma_wait3A_99 = arith.constant 0 : i32
    %dma_wait3A_100 = tpu.memref_slice %arg9[%dma_wait3A, %dma_wait3A_99] : memref<10x80xi32, #tpu.memory_space<vmem>> -> memref<1x80xi32, #tpu.memory_space<vmem>>
    %dma_wait3A_101 = tpu.memref_squeeze %dma_wait3A_100 : memref<1x80xi32, #tpu.memory_space<vmem>> -> memref<80xi32, #tpu.memory_space<vmem>>
    %dma_wait3A_102 = arith.constant 0 : i32
    %dma_wait3A_103 = arith.constant 0 : i32
    %dma_wait3A_104 = tpu.memref_slice %arg12[%dma_wait3A_102, %dma_wait3A_103] : memref<10240x128xf32, #tpu.memory_space<vmem_shared>> -> memref<10240x128xf32, #tpu.memory_space<vmem_shared>>
    %dma_wait3A_105 = tpu.memref_slice %arg14[%dma_wait3A_95] : memref<3x!tpu.dma_semaphore, #tpu.memory_space<semaphore_mem>> -> memref<1x!tpu.dma_semaphore, #tpu.memory_space<semaphore_mem>>
    %dma_wait3A_106 = tpu.memref_squeeze %dma_wait3A_105 : memref<1x!tpu.dma_semaphore, #tpu.memory_space<semaphore_mem>> -> memref<!tpu.dma_semaphore, #tpu.memory_space<semaphore_mem>>
    tpu.wait_indirect_dma semaphore(%dma_wait3A_106 : memref<!tpu.dma_semaphore, #tpu.memory_space<semaphore_mem>>) src(%dma_wait3A_98 : memref<80x128xf32, #tpu.memory_space<vmem>>) dst(%dma_wait3A_104 : memref<10240x128xf32, #tpu.memory_space<vmem_shared>>)
    %dma_wait3A_107 = arith.constant 0 : i32
    %dma_wait3A_108 = arith.constant 1 : i32
    %dma_wait3A_109 = arith.constant 80 : i32
    %dma_wait3A_110 = arith.constant 0 : i32
    %dma_wait3A_111 = tpu.memref_slice %arg10[%dma_wait3A_109, %dma_wait3A_110] : memref<240x128xf32, #tpu.memory_space<vmem>> -> memref<80x128xf32, #tpu.memory_space<vmem>>
    %dma_wait3A_112 = arith.constant 0 : i32
    %dma_wait3A_113 = tpu.memref_slice %arg9[%dma_wait3A_107, %dma_wait3A_112] : memref<10x80xi32, #tpu.memory_space<vmem>> -> memref<1x80xi32, #tpu.memory_space<vmem>>
    %dma_wait3A_114 = tpu.memref_squeeze %dma_wait3A_113 : memref<1x80xi32, #tpu.memory_space<vmem>> -> memref<80xi32, #tpu.memory_space<vmem>>
    %dma_wait3A_115 = arith.constant 0 : i32
    %dma_wait3A_116 = arith.constant 0 : i32
    %dma_wait3A_117 = tpu.memref_slice %arg12[%dma_wait3A_115, %dma_wait3A_116] : memref<10240x128xf32, #tpu.memory_space<vmem_shared>> -> memref<10240x128xf32, #tpu.memory_space<vmem_shared>>
    %dma_wait3A_118 = tpu.memref_slice %arg14[%dma_wait3A_108] : memref<3x!tpu.dma_semaphore, #tpu.memory_space<semaphore_mem>> -> memref<1x!tpu.dma_semaphore, #tpu.memory_space<semaphore_mem>>
    %dma_wait3A_119 = tpu.memref_squeeze %dma_wait3A_118 : memref<1x!tpu.dma_semaphore, #tpu.memory_space<semaphore_mem>> -> memref<!tpu.dma_semaphore, #tpu.memory_space<semaphore_mem>>
    tpu.wait_indirect_dma semaphore(%dma_wait3A_119 : memref<!tpu.dma_semaphore, #tpu.memory_space<semaphore_mem>>) src(%dma_wait3A_111 : memref<80x128xf32, #tpu.memory_space<vmem>>) dst(%dma_wait3A_117 : memref<10240x128xf32, #tpu.memory_space<vmem_shared>>)
    %dma_wait3A_120 = arith.constant 0 : i32
    %dma_wait3A_121 = arith.constant 2 : i32
    %dma_wait3A_122 = arith.constant 160 : i32
    %dma_wait3A_123 = arith.constant 0 : i32
    %dma_wait3A_124 = tpu.memref_slice %arg10[%dma_wait3A_122, %dma_wait3A_123] : memref<240x128xf32, #tpu.memory_space<vmem>> -> memref<80x128xf32, #tpu.memory_space<vmem>>
    %dma_wait3A_125 = arith.constant 0 : i32
    %dma_wait3A_126 = tpu.memref_slice %arg9[%dma_wait3A_120, %dma_wait3A_125] : memref<10x80xi32, #tpu.memory_space<vmem>> -> memref<1x80xi32, #tpu.memory_space<vmem>>
    %dma_wait3A_127 = tpu.memref_squeeze %dma_wait3A_126 : memref<1x80xi32, #tpu.memory_space<vmem>> -> memref<80xi32, #tpu.memory_space<vmem>>
    %dma_wait3A_128 = arith.constant 0 : i32
    %dma_wait3A_129 = arith.constant 0 : i32
    %dma_wait3A_130 = tpu.memref_slice %arg12[%dma_wait3A_128, %dma_wait3A_129] : memref<10240x128xf32, #tpu.memory_space<vmem_shared>> -> memref<10240x128xf32, #tpu.memory_space<vmem_shared>>
    %dma_wait3A_131 = tpu.memref_slice %arg14[%dma_wait3A_121] : memref<3x!tpu.dma_semaphore, #tpu.memory_space<semaphore_mem>> -> memref<1x!tpu.dma_semaphore, #tpu.memory_space<semaphore_mem>>
    %dma_wait3A_132 = tpu.memref_squeeze %dma_wait3A_131 : memref<1x!tpu.dma_semaphore, #tpu.memory_space<semaphore_mem>> -> memref<!tpu.dma_semaphore, #tpu.memory_space<semaphore_mem>>
    tpu.wait_indirect_dma semaphore(%dma_wait3A_132 : memref<!tpu.dma_semaphore, #tpu.memory_space<semaphore_mem>>) src(%dma_wait3A_124 : memref<80x128xf32, #tpu.memory_space<vmem>>) dst(%dma_wait3A_130 : memref<10240x128xf32, #tpu.memory_space<vmem_shared>>)
    %barrier3A_133 = arith.constant 0 : index
    tpu.barrier barrier_id(%barrier3A_133)
    %mul3A_134 = arith.constant 10240 : i32
    %mul3A_135 = arith.muli %arg0, %mul3A_134 : i32
    %mul3A_136 = arith.constant 640 : i32
    %mul3A_137 = arith.muli %arg1, %mul3A_136 : i32
    %add3A_138 = arith.addi %mul3A_135, %mul3A_137 : i32
    %mul3A_139 = arith.constant 640 : i32
    %mul3A_140 = arith.muli %arg1, %mul3A_139 : i32
    "tpu.region"() ({
      %run_scoped3A_141 = tpu.sem_alloc : memref<!tpu.dma_semaphore, #tpu.memory_space<semaphore_mem>>
      %dma_start3A_142 = arith.constant 0 : i32
      %dma_start3A_143 = tpu.memref_slice %arg6[%add3A_138, %dma_start3A_142] : memref<20480x128xf32, #tpu.memory_space<hbm>> -> memref<640x128xf32, #tpu.memory_space<hbm>>
      %dma_start3A_144 = arith.constant 0 : i32
      %dma_start3A_145 = tpu.memref_slice %arg12[%mul3A_140, %dma_start3A_144] : memref<10240x128xf32, #tpu.memory_space<vmem_shared>> -> memref<640x128xf32, #tpu.memory_space<vmem_shared>>
      tpu.enqueue_dma source(%dma_start3A_145 : memref<640x128xf32, #tpu.memory_space<vmem_shared>>) target(%dma_start3A_143 : memref<640x128xf32, #tpu.memory_space<hbm>>) target_semaphore(%run_scoped3A_141 : memref<!tpu.dma_semaphore, #tpu.memory_space<semaphore_mem>>)
      %dma_wait3A_146 = arith.constant 0 : i32
      %dma_wait3A_147 = tpu.memref_slice %arg6[%add3A_138, %dma_wait3A_146] : memref<20480x128xf32, #tpu.memory_space<hbm>> -> memref<640x128xf32, #tpu.memory_space<hbm>>
      %dma_wait3A_148 = arith.constant 0 : i32
      %dma_wait3A_149 = tpu.memref_slice %arg12[%mul3A_140, %dma_wait3A_148] : memref<10240x128xf32, #tpu.memory_space<vmem_shared>> -> memref<640x128xf32, #tpu.memory_space<vmem_shared>>
      tpu.wait_dma2 semaphore(%run_scoped3A_141 : memref<!tpu.dma_semaphore, #tpu.memory_space<semaphore_mem>>) src(%dma_wait3A_149 : memref<640x128xf32, #tpu.memory_space<vmem_shared>>) dst(%dma_wait3A_147 : memref<640x128xf32, #tpu.memory_space<hbm>>)
      tpu.yield
    }) : () -> ()
    "tpu.region"() ({
      %run_scoped3A_141 = tpu.sem_alloc : memref<!tpu.dma_semaphore, #tpu.memory_space<semaphore_mem>>
      %dma_start3A_142 = arith.constant 0 : i32
      %dma_start3A_143 = tpu.memref_slice %arg7[%add3A, %dma_start3A_142] : memref<32x10240xf32, #tpu.memory_space<hbm>> -> memref<1x10240xf32, #tpu.memory_space<hbm>>
      %dma_start3A_144 = tpu.memref_squeeze %dma_start3A_143 : memref<1x10240xf32, #tpu.memory_space<hbm>> -> memref<10240xf32, #tpu.memory_space<hbm>>
      %dma_start3A_145 = arith.constant 0 : i32
      %dma_start3A_146 = tpu.memref_slice %arg7[%add3A, %dma_start3A_145] : memref<32x10240xf32, #tpu.memory_space<hbm>> -> memref<1x10240xf32, #tpu.memory_space<hbm>>
      %dma_start3A_147 = tpu.memref_squeeze %dma_start3A_146 : memref<1x10240xf32, #tpu.memory_space<hbm>> -> memref<10240xf32, #tpu.memory_space<hbm>>
      tpu.enqueue_dma source(%arg11 : memref<10240xf32, #tpu.memory_space<vmem>>) target(%dma_start3A_147 : memref<10240xf32, #tpu.memory_space<hbm>>) target_semaphore(%run_scoped3A_141 : memref<!tpu.dma_semaphore, #tpu.memory_space<semaphore_mem>>)
      %dma_wait3A_148 = arith.constant 0 : i32
      %dma_wait3A_149 = tpu.memref_slice %arg7[%add3A, %dma_wait3A_148] : memref<32x10240xf32, #tpu.memory_space<hbm>> -> memref<1x10240xf32, #tpu.memory_space<hbm>>
      %dma_wait3A_150 = tpu.memref_squeeze %dma_wait3A_149 : memref<1x10240xf32, #tpu.memory_space<hbm>> -> memref<10240xf32, #tpu.memory_space<hbm>>
      %dma_wait3A_151 = arith.constant 0 : i32
      %dma_wait3A_152 = tpu.memref_slice %arg7[%add3A, %dma_wait3A_151] : memref<32x10240xf32, #tpu.memory_space<hbm>> -> memref<1x10240xf32, #tpu.memory_space<hbm>>
      %dma_wait3A_153 = tpu.memref_squeeze %dma_wait3A_152 : memref<1x10240xf32, #tpu.memory_space<hbm>> -> memref<10240xf32, #tpu.memory_space<hbm>>
      tpu.wait_dma2 semaphore(%run_scoped3A_141 : memref<!tpu.dma_semaphore, #tpu.memory_space<semaphore_mem>>) src(%arg11 : memref<10240xf32, #tpu.memory_space<vmem>>) dst(%dma_wait3A_153 : memref<10240xf32, #tpu.memory_space<hbm>>)
      tpu.yield
    }) : () -> ()
    return
  }
}

module attributes {stable_mosaic.version = 14 : i64} {
  func.func @_tc_self_body(%arg0: i32, %arg1: memref<400x128xf32, #tpu.memory_space<vmem>>, %arg2: memref<128x128xf32, #tpu.memory_space<vmem>>, %arg3: memref<1x128xf32, #tpu.memory_space<vmem>>, %arg4: memref<1x128xf32, #tpu.memory_space<vmem>>, %arg5: memref<1x128xf32, #tpu.memory_space<vmem>>, %arg6: memref<400x128xf32, #tpu.memory_space<vmem>>) attributes {dimension_semantics = [#tpu.dimension_semantics<arbitrary>], iteration_bounds = array<i64: 25>, scalar_prefetch = 0 : i64, scratch_operands = 0 : i64, tpu.core_type = #tpu.core_type<tc>, window_params = [{transform_indices = @transform_0, window_bounds = array<i64: 400, 128>}, {pipeline_mode = #tpu.pipeline_mode<synchronous>, transform_indices = @transform_1, window_bounds = array<i64: 128, 128>}, {pipeline_mode = #tpu.pipeline_mode<synchronous>, transform_indices = @transform_2, window_bounds = array<i64: 1, 128>}, {pipeline_mode = #tpu.pipeline_mode<synchronous>, transform_indices = @transform_3, window_bounds = array<i64: 1, 128>}, {pipeline_mode = #tpu.pipeline_mode<synchronous>, transform_indices = @transform_4, window_bounds = array<i64: 1, 128>}, {transform_indices = @transform_5, window_bounds = array<i64: 400, 128>}]} {
    %get3A = arith.constant 0 : index
    %get3A_0 = arith.constant 0 : index
    %get3A_1 = vector.load %arg1[%get3A, %get3A_0] : memref<400x128xf32, #tpu.memory_space<vmem>>, vector<400x128xf32>
    %get3A_2 = arith.constant 0 : index
    %get3A_3 = arith.constant 0 : index
    %get3A_4 = vector.load %arg2[%get3A_2, %get3A_3] : memref<128x128xf32, #tpu.memory_space<vmem>>, vector<128x128xf32>
    %dot_general3A = arith.constant dense<0.000000e+00> : vector<400x128xf32>
    %dot_general3A_5 = tpu.matmul %get3A_1, %get3A_4, %dot_general3A {dimension_numbers = #tpu.dot_dimension_numbers<[1], [1], [0], [0], [0, 0, 1, 0], [], []>, transpose_lhs_hint = false} : vector<400x128xf32>, vector<128x128xf32>, vector<400x128xf32> -> vector<400x128xf32>
    %get3A_6 = arith.constant 0 : index
    %get3A_7 = arith.constant 0 : index
    %get3A_8 = vector.load %arg3[%get3A_6, %get3A_7] : memref<1x128xf32, #tpu.memory_space<vmem>>, vector<1x128xf32>
    %add3A = vector.broadcast %get3A_8 : vector<1x128xf32> to vector<400x128xf32>
    %add3A_9 = arith.addf %dot_general3A_5, %add3A : vector<400x128xf32>
    %max3A = arith.constant 0.000000e+00 : f32
    %max3A_10 = vector.broadcast %max3A : f32 to vector<400x128xf32>
    %max3A_11 = arith.maximumf %add3A_9, %max3A_10 : vector<400x128xf32>
    %get3A_12 = arith.constant 0 : index
    %get3A_13 = arith.constant 0 : index
    %get3A_14 = vector.load %arg4[%get3A_12, %get3A_13] : memref<1x128xf32, #tpu.memory_space<vmem>>, vector<1x128xf32>
    %get3A_15 = arith.constant 0 : index
    %get3A_16 = arith.constant 0 : index
    %get3A_17 = vector.load %arg5[%get3A_15, %get3A_16] : memref<1x128xf32, #tpu.memory_space<vmem>>, vector<1x128xf32>
    %reduce_sum3A = arith.constant dense<0.000000e+00> : vector<400xf32>
    %reduce_sum3A_18 = vector.multi_reduction <add>, %max3A_11, %reduce_sum3A [1] : vector<400x128xf32> to vector<400xf32>
    %broadcast_in_dim3A = vector.shape_cast %reduce_sum3A_18 : vector<400xf32> to vector<400x1xf32>
    %div3A = arith.constant 1.280000e+02 : f32
    %div3A_19 = vector.broadcast %div3A : f32 to vector<400x1xf32>
    %div3A_20 = arith.divf %broadcast_in_dim3A, %div3A_19 : vector<400x1xf32>
    %sub3A = vector.broadcast %div3A_20 : vector<400x1xf32> to vector<400x128xf32>
    %sub3A_21 = arith.subf %max3A_11, %sub3A : vector<400x128xf32>
    %integer_pow3A = arith.mulf %sub3A_21, %sub3A_21 : vector<400x128xf32>
    %reduce_sum3A_22 = arith.constant dense<0.000000e+00> : vector<400xf32>
    %reduce_sum3A_23 = vector.multi_reduction <add>, %integer_pow3A, %reduce_sum3A_22 [1] : vector<400x128xf32> to vector<400xf32>
    %broadcast_in_dim3A_24 = vector.shape_cast %reduce_sum3A_23 : vector<400xf32> to vector<400x1xf32>
    %div3A_25 = arith.constant 1.280000e+02 : f32
    %div3A_26 = vector.broadcast %div3A_25 : f32 to vector<400x1xf32>
    %div3A_27 = arith.divf %broadcast_in_dim3A_24, %div3A_26 : vector<400x1xf32>
    %add3A_28 = arith.constant 9.99999971E-10 : f32
    %add3A_29 = vector.broadcast %add3A_28 : f32 to vector<400x1xf32>
    %add3A_30 = arith.addf %div3A_27, %add3A_29 : vector<400x1xf32>
    %sub3A_31 = vector.broadcast %div3A_20 : vector<400x1xf32> to vector<400x128xf32>
    %sub3A_32 = arith.subf %max3A_11, %sub3A_31 : vector<400x128xf32>
    %mul3A = vector.broadcast %get3A_14 : vector<1x128xf32> to vector<400x128xf32>
    %mul3A_33 = arith.mulf %sub3A_32, %mul3A : vector<400x128xf32>
    %rsqrt3A = math.rsqrt %add3A_30 : vector<400x1xf32>
    %mul3A_34 = vector.broadcast %rsqrt3A : vector<400x1xf32> to vector<400x128xf32>
    %mul3A_35 = arith.mulf %mul3A_33, %mul3A_34 : vector<400x128xf32>
    %add3A_36 = vector.broadcast %get3A_17 : vector<1x128xf32> to vector<400x128xf32>
    %add3A_37 = arith.addf %mul3A_35, %add3A_36 : vector<400x128xf32>
    %swap3A = arith.constant 0 : index
    %swap3A_38 = arith.constant 0 : index
    %swap3A_39 = vector.load %arg6[%swap3A, %swap3A_38] : memref<400x128xf32, #tpu.memory_space<vmem>>, vector<400x128xf32>
    tpu.vector_store %arg6[%swap3A, %swap3A_38], %add3A_37 {strides = array<i32>} : memref<400x128xf32, #tpu.memory_space<vmem>>, vector<400x128xf32>,
    return
  }
  func.func @transform_0(%arg0: i32) -> (i32, i32) {
    %c0_i32 = arith.constant 0 : i32
    %c0_i32_0 = arith.constant 0 : i32
    return %arg0, %c0_i32 : i32, i32
  }
  func.func @transform_1(%arg0: i32) -> (i32, i32) {
    %c0_i32 = arith.constant 0 : i32
    %c0_i32_0 = arith.constant 0 : i32
    %c0_i32_1 = arith.constant 0 : i32
    return %c0_i32, %c0_i32_0 : i32, i32
  }
  func.func @transform_2(%arg0: i32) -> (i32, i32) {
    %c0_i32 = arith.constant 0 : i32
    %c0_i32_0 = arith.constant 0 : i32
    %c0_i32_1 = arith.constant 0 : i32
    return %c0_i32, %c0_i32_0 : i32, i32
  }
  func.func @transform_3(%arg0: i32) -> (i32, i32) {
    %c0_i32 = arith.constant 0 : i32
    %c0_i32_0 = arith.constant 0 : i32
    %c0_i32_1 = arith.constant 0 : i32
    return %c0_i32, %c0_i32_0 : i32, i32
  }
  func.func @transform_4(%arg0: i32) -> (i32, i32) {
    %c0_i32 = arith.constant 0 : i32
    %c0_i32_0 = arith.constant 0 : i32
    %c0_i32_1 = arith.constant 0 : i32
    return %c0_i32, %c0_i32_0 : i32, i32
  }
  func.func @transform_5(%arg0: i32) -> (i32, i32) {
    %c0_i32 = arith.constant 0 : i32
    %c0_i32_0 = arith.constant 0 : i32
    return %arg0, %c0_i32 : i32, i32
  }
}

module attributes {stable_mosaic.version = 14 : i64} {
  func.func @_tc_neigh_body(%arg0: i32, %arg1: memref<2x400x128xf32, #tpu.memory_space<vmem>>, %arg2: memref<32x10240xf32, #tpu.memory_space<vmem>>, %arg3: memref<400x128xf32, #tpu.memory_space<vmem>>, %arg4: memref<128x128xf32, #tpu.memory_space<vmem>>, %arg5: memref<1x128xf32, #tpu.memory_space<vmem>>, %arg6: memref<1x128xf32, #tpu.memory_space<vmem>>, %arg7: memref<1x128xf32, #tpu.memory_space<vmem>>, %arg8: memref<400x128xf32, #tpu.memory_space<vmem>>, %arg9: memref<10240x1xf32, #tpu.memory_space<vmem>>) attributes {dimension_semantics = [#tpu.dimension_semantics<arbitrary>], iteration_bounds = array<i64: 25>, scalar_prefetch = 0 : i64, scratch_operands = 1 : i64, tpu.core_type = #tpu.core_type<tc>, window_params = [{transform_indices = @transform_0, window_bounds = array<i64: 2, 400, 128>}, {pipeline_mode = #tpu.pipeline_mode<synchronous>, transform_indices = @transform_1, window_bounds = array<i64: 32, 10240>}, {transform_indices = @transform_2, window_bounds = array<i64: 400, 128>}, {pipeline_mode = #tpu.pipeline_mode<synchronous>, transform_indices = @transform_3, window_bounds = array<i64: 128, 128>}, {pipeline_mode = #tpu.pipeline_mode<synchronous>, transform_indices = @transform_4, window_bounds = array<i64: 1, 128>}, {pipeline_mode = #tpu.pipeline_mode<synchronous>, transform_indices = @transform_5, window_bounds = array<i64: 1, 128>}, {pipeline_mode = #tpu.pipeline_mode<synchronous>, transform_indices = @transform_6, window_bounds = array<i64: 1, 128>}, {transform_indices = @transform_7, window_bounds = array<i64: 400, 128>}]} {
    %eq3A = arith.constant 0 : i32
    %eq3A_0 = arith.cmpi eq, %arg0, %eq3A : i32
    %convert_element_type3A = arith.extui %eq3A_0 : i1 to i32
    %cond3A = arith.constant 0 : i32
    %cond3A_1 = arith.cmpi ne, %convert_element_type3A, %cond3A : i32
    scf.if %cond3A_1 {
      %get3A_61 = arith.constant 0 : index
      %get3A_62 = arith.constant 0 : index
      %get3A_63 = vector.load %arg2[%get3A_61, %get3A_62] : memref<32x10240xf32, #tpu.memory_space<vmem>>, vector<32x10240xf32>
      %broadcast_in_dim3A_64 = arith.constant 1.000000e+00 : f32
      %broadcast_in_dim3A_65 = vector.broadcast %broadcast_in_dim3A_64 : f32 to vector<32x1xf32>
      %dot_general3A_66 = arith.constant dense<0.000000e+00> : vector<10240x1xf32>
      %dot_general3A_67 = tpu.matmul %get3A_63, %broadcast_in_dim3A_65, %dot_general3A_66 {dimension_numbers = #tpu.dot_dimension_numbers<[0], [0], [1], [1], [0, 1, 1, 1], [], []>, transpose_lhs_hint = false} : vector<32x10240xf32>, vector<32x1xf32>, vector<10240x1xf32> -> vector<10240x1xf32>
      %max3A_68 = arith.constant 1.000000e+00 : f32
      %max3A_69 = vector.broadcast %max3A_68 : f32 to vector<10240x1xf32>
      %max3A_70 = arith.maximumf %dot_general3A_67, %max3A_69 : vector<10240x1xf32>
      %swap3A_71 = arith.constant 0 : index
      %swap3A_72 = arith.constant 0 : index
      %swap3A_73 = vector.load %arg9[%swap3A_71, %swap3A_72] : memref<10240x1xf32, #tpu.memory_space<vmem>>, vector<10240x1xf32>
      tpu.vector_store %arg9[%swap3A_71, %swap3A_72], %max3A_70 {strides = array<i32>} : memref<10240x1xf32, #tpu.memory_space<vmem>>, vector<10240x1xf32>,
    } else {
    }
    %get3A = arith.constant 0 : index
    %get3A_2 = arith.constant 0 : index
    %get3A_3 = arith.constant 0 : index
    %get3A_4 = vector.load %arg1[%get3A, %get3A_2, %get3A_3] : memref<2x400x128xf32, #tpu.memory_space<vmem>>, vector<1x400x128xf32>
    %get3A_5 = vector.shape_cast %get3A_4 : vector<1x400x128xf32> to vector<400x128xf32>
    %get3A_6 = arith.constant 1 : index
    %get3A_7 = arith.constant 0 : index
    %get3A_8 = arith.constant 0 : index
    %get3A_9 = vector.load %arg1[%get3A_6, %get3A_7, %get3A_8] : memref<2x400x128xf32, #tpu.memory_space<vmem>>, vector<1x400x128xf32>
    %get3A_10 = vector.shape_cast %get3A_9 : vector<1x400x128xf32> to vector<400x128xf32>
    %add3A = arith.addf %get3A_5, %get3A_10 : vector<400x128xf32>
    %mul3A = arith.constant 400 : i32
    %mul3A_11 = arith.muli %arg0, %mul3A : i32
    %get3A_12 = arith.index_cast %mul3A_11 : i32 to index
    %get3A_13 = arith.constant 0 : index
    %get3A_14 = vector.load %arg9[%get3A_12, %get3A_13] : memref<10240x1xf32, #tpu.memory_space<vmem>>, vector<400x1xf32>
    %div3A = vector.broadcast %get3A_14 : vector<400x1xf32> to vector<400x128xf32>
    %div3A_15 = arith.divf %add3A, %div3A : vector<400x128xf32>
    %get3A_16 = arith.constant 0 : index
    %get3A_17 = arith.constant 0 : index
    %get3A_18 = vector.load %arg4[%get3A_16, %get3A_17] : memref<128x128xf32, #tpu.memory_space<vmem>>, vector<128x128xf32>
    %dot_general3A = arith.constant dense<0.000000e+00> : vector<400x128xf32>
    %dot_general3A_19 = tpu.matmul %div3A_15, %get3A_18, %dot_general3A {dimension_numbers = #tpu.dot_dimension_numbers<[1], [1], [0], [0], [0, 0, 1, 0], [], []>, transpose_lhs_hint = false} : vector<400x128xf32>, vector<128x128xf32>, vector<400x128xf32> -> vector<400x128xf32>
    %get3A_20 = arith.constant 0 : index
    %get3A_21 = arith.constant 0 : index
    %get3A_22 = vector.load %arg5[%get3A_20, %get3A_21] : memref<1x128xf32, #tpu.memory_space<vmem>>, vector<1x128xf32>
    %add3A_23 = vector.broadcast %get3A_22 : vector<1x128xf32> to vector<400x128xf32>
    %add3A_24 = arith.addf %dot_general3A_19, %add3A_23 : vector<400x128xf32>
    %max3A = arith.constant 0.000000e+00 : f32
    %max3A_25 = vector.broadcast %max3A : f32 to vector<400x128xf32>
    %max3A_26 = arith.maximumf %add3A_24, %max3A_25 : vector<400x128xf32>
    %get3A_27 = arith.constant 0 : index
    %get3A_28 = arith.constant 0 : index
    %get3A_29 = vector.load %arg3[%get3A_27, %get3A_28] : memref<400x128xf32, #tpu.memory_space<vmem>>, vector<400x128xf32>
    %get3A_30 = arith.constant 0 : index
    %get3A_31 = arith.constant 0 : index
    %get3A_32 = vector.load %arg6[%get3A_30, %get3A_31] : memref<1x128xf32, #tpu.memory_space<vmem>>, vector<1x128xf32>
    %get3A_33 = arith.constant 0 : index
    %get3A_34 = arith.constant 0 : index
    %get3A_35 = vector.load %arg7[%get3A_33, %get3A_34] : memref<1x128xf32, #tpu.memory_space<vmem>>, vector<1x128xf32>
    %reduce_sum3A = arith.constant dense<0.000000e+00> : vector<400xf32>
    %reduce_sum3A_36 = vector.multi_reduction <add>, %max3A_26, %reduce_sum3A [1] : vector<400x128xf32> to vector<400xf32>
    %broadcast_in_dim3A = vector.shape_cast %reduce_sum3A_36 : vector<400xf32> to vector<400x1xf32>
    %div3A_37 = arith.constant 1.280000e+02 : f32
    %div3A_38 = vector.broadcast %div3A_37 : f32 to vector<400x1xf32>
    %div3A_39 = arith.divf %broadcast_in_dim3A, %div3A_38 : vector<400x1xf32>
    %sub3A = vector.broadcast %div3A_39 : vector<400x1xf32> to vector<400x128xf32>
    %sub3A_40 = arith.subf %max3A_26, %sub3A : vector<400x128xf32>
    %integer_pow3A = arith.mulf %sub3A_40, %sub3A_40 : vector<400x128xf32>
    %reduce_sum3A_41 = arith.constant dense<0.000000e+00> : vector<400xf32>
    %reduce_sum3A_42 = vector.multi_reduction <add>, %integer_pow3A, %reduce_sum3A_41 [1] : vector<400x128xf32> to vector<400xf32>
    %broadcast_in_dim3A_43 = vector.shape_cast %reduce_sum3A_42 : vector<400xf32> to vector<400x1xf32>
    %div3A_44 = arith.constant 1.280000e+02 : f32
    %div3A_45 = vector.broadcast %div3A_44 : f32 to vector<400x1xf32>
    %div3A_46 = arith.divf %broadcast_in_dim3A_43, %div3A_45 : vector<400x1xf32>
    %add3A_47 = arith.constant 9.99999971E-10 : f32
    %add3A_48 = vector.broadcast %add3A_47 : f32 to vector<400x1xf32>
    %add3A_49 = arith.addf %div3A_46, %add3A_48 : vector<400x1xf32>
    %sub3A_50 = vector.broadcast %div3A_39 : vector<400x1xf32> to vector<400x128xf32>
    %sub3A_51 = arith.subf %max3A_26, %sub3A_50 : vector<400x128xf32>
    %mul3A_52 = vector.broadcast %get3A_32 : vector<1x128xf32> to vector<400x128xf32>
    %mul3A_53 = arith.mulf %sub3A_51, %mul3A_52 : vector<400x128xf32>
    %rsqrt3A = math.rsqrt %add3A_49 : vector<400x1xf32>
    %mul3A_54 = vector.broadcast %rsqrt3A : vector<400x1xf32> to vector<400x128xf32>
    %mul3A_55 = arith.mulf %mul3A_53, %mul3A_54 : vector<400x128xf32>
    %add3A_56 = vector.broadcast %get3A_35 : vector<1x128xf32> to vector<400x128xf32>
    %add3A_57 = arith.addf %mul3A_55, %add3A_56 : vector<400x128xf32>
    %add3A_58 = arith.addf %get3A_29, %add3A_57 : vector<400x128xf32>
    %swap3A = arith.constant 0 : index
    %swap3A_59 = arith.constant 0 : index
    %swap3A_60 = vector.load %arg8[%swap3A, %swap3A_59] : memref<400x128xf32, #tpu.memory_space<vmem>>, vector<400x128xf32>
    tpu.vector_store %arg8[%swap3A, %swap3A_59], %add3A_58 {strides = array<i32>} : memref<400x128xf32, #tpu.memory_space<vmem>>, vector<400x128xf32>,
    return
  }
  func.func @transform_0(%arg0: i32) -> (i32, i32, i32) {
    %c0_i32 = arith.constant 0 : i32
    %c0_i32_0 = arith.constant 0 : i32
    %c0_i32_1 = arith.constant 0 : i32
    return %c0_i32, %arg0, %c0_i32_0 : i32, i32, i32
  }
  func.func @transform_1(%arg0: i32) -> (i32, i32) {
    %c0_i32 = arith.constant 0 : i32
    %c0_i32_0 = arith.constant 0 : i32
    %c0_i32_1 = arith.constant 0 : i32
    return %c0_i32, %c0_i32_0 : i32, i32
  }
  func.func @transform_2(%arg0: i32) -> (i32, i32) {
    %c0_i32 = arith.constant 0 : i32
    %c0_i32_0 = arith.constant 0 : i32
    return %arg0, %c0_i32 : i32, i32
  }
  func.func @transform_3(%arg0: i32) -> (i32, i32) {
    %c0_i32 = arith.constant 0 : i32
    %c0_i32_0 = arith.constant 0 : i32
    %c0_i32_1 = arith.constant 0 : i32
    return %c0_i32, %c0_i32_0 : i32, i32
  }
  func.func @transform_4(%arg0: i32) -> (i32, i32) {
    %c0_i32 = arith.constant 0 : i32
    %c0_i32_0 = arith.constant 0 : i32
    %c0_i32_1 = arith.constant 0 : i32
    return %c0_i32, %c0_i32_0 : i32, i32
  }
  func.func @transform_5(%arg0: i32) -> (i32, i32) {
    %c0_i32 = arith.constant 0 : i32
    %c0_i32_0 = arith.constant 0 : i32
    %c0_i32_1 = arith.constant 0 : i32
    return %c0_i32, %c0_i32_0 : i32, i32
  }
  func.func @transform_6(%arg0: i32) -> (i32, i32) {
    %c0_i32 = arith.constant 0 : i32
    %c0_i32_0 = arith.constant 0 : i32
    %c0_i32_1 = arith.constant 0 : i32
    return %c0_i32, %c0_i32_0 : i32, i32
  }
  func.func @transform_7(%arg0: i32) -> (i32, i32) {
    %c0_i32 = arith.constant 0 : i32
    %c0_i32_0 = arith.constant 0 : i32
    return %arg0, %c0_i32 : i32, i32
  }
}

</mosaic_0001>

<sc_bundles>
// kernel: kernel.5.cloned.1.call-start
scs
__scs_entry_jumppad:
0x0: {  	(pc) =	sbr.rel $0x88, $3  }
0x1: {  	(tag) =	ssettag $0x0;
	lr =	simm.s32 $0x1  }
0x2: {  	[smem:$0x3F99] =	sst lr;
	_ =	strace $0xD0000000  }
0x3: {  	_ = 	snop  }
0x4: {  	_ = 	snop  }
0x5: {  	_ = 	snop  }
0x6: {  	_ = 	snop  }
0x7: {  	_ = 	snop  }
__scs_overlays_trampoline_lowered:
0x8: {  	[smem:$0x3FA8] =	sst s0  }
0x9: {  	[smem:$0x3FA9] =	sst s1  }
0xa: {  	[smem:$0x3FAA] =	sst s2  }
0xb: {  	[smem:$0x3FAB] =	sst s3  }
0xc: {  	[smem:$0x3FAC] =	sst s4  }
0xd: {  	[smem:$0x3FAD] =	sst s5  }
0xe: {  	[smem:$0x3FAE] =	sst s6  }
0xf: {  	[smem:$0x3FAF] =	sst s7  }
0x10: {  	[smem:$0x3FB0] =	sst s8  }
0x11: {  	[smem:$0x3FB1] =	sst s9;
	s0 =	simm.s32 @!p0 $0x0  }
0x12: {  	s1 =	sld [smem:$0x3F97];
	s0 =	simm.s32 @p0 $0x1  }
0x13: {  	[smem:$0x3FB2] =	sst s0;
	s0 =	simm.s32 @!p1 $0x0  }
0x14: {  	s2 =	sld [smem:$0x3F96];
	s0 =	simm.s32 @p1 $0x1  }
0x15: {  	[smem:$0x3FB3] =	sst s0;
	s0 =	simm.s32 @!p2 $0x0  }
0x16: {  	s3 =	sld [smem:$0x3FDB];
	s0 =	simm.s32 @p2 $0x1  }
0x17: {  	s4 =	simm.s32 $0x1BF5;
	[smem:$0x3FB5] =	sst s0  }
0x18: {  	s0 =	sld [smem:$0x3F98];
	_ =	swait.ge [sflag:s4], $0x0  }
0x19: {  	s7 =	sld [smem:$0x3F99]  }
0x1a: {  	s8 =	sadd.s32 $0xFFFFE003, lr  }
0x1b: {  	s9 =	sadd.s32 $0xFFFFFEF7, lr;
	s5 =	simm.s32 $0xFFFFFFFF;
	p2 =	slt.u32 s8, $0xFFFFF086  }
0x1c: {  	p1 =	slt.u32 s9, $0xF7A;
	s5 =	simm.s32 @!p2 $0x0  }
0x1d: {  	s5 =	simm.s32 @p1 $0x1;
	p0 =	seq.s32 s7, s2  }
0x1e: {  	s7 =	smul.u32 @!p0 $0xF7A, s2;
	p2 =	seq.s32 @!p0 s5, $0x0  }
0x1f: {  	s9 =	smul.u32 $0xF7A, s1;
	s8 =	simm.s32 @!p0 $0x1BF5;
	p2 =	por !p2, p0  }
0x20: {  	[sflag:s8] =	ssyncset.s32 @!p0 $0xFFFFF086;
	s6 =	sadd.s32 @!p0 s3, s7;
	s7 =	simm.s32 @!p0 $0x108  }
0x21: {  	s3 =	sadd.s32 s3, s9;
	s6 =	sadd.s32 @!p0 $0x88, s6;
	s7 =	simm.s32 @p2 $0x1082  }
0x22: {  	[simem:s7], [sflag:s8] =	dma.local @!p0 [hbm:s6], $0xF7A  }
0x23: {  	s9 =	sor.u32 $0xD0000000, s2;
	s6 =	simm.s32 $0x108;
	_ =	swait.ge @!p0 [sflag:s8], $0x0  }
0x24: {  	s3 =	sadd.s32 $0x88, s3;
	s6 =	simm.s32 @!p1 $0x1082;
	[sflag:s4] =	ssyncset.s32 $0xFFFFF086  }
0x25: {  	[simem:s6], [sflag:s4] =	dma.local [hbm:s3], $0xF7A  }
0x26: {  	[smem:$0x3F99] =	sst s1;
	(tag) =	ssettag s2;
	_ =	strace s9  }
0x27: {  	s1 =	sld [smem:$0x3FA9]  }
0x28: {  	s2 =	sld [smem:$0x3FAA]  }
0x29: {  	s4 =	sld [smem:$0x3FAC]  }
0x2a: {  	p0 =	seq.s32 s5, $0x0;
	s5 =	sld [smem:$0x3FAD]  }
0x2b: {  	s6 =	sld [smem:$0x3FAE]  }
0x2c: {  	s7 =	sld [smem:$0x3FAF]  }
0x2d: {  	s3 =	simm.s32 $0x108;
	s8 =	sld [smem:$0x3FB0]  }
0x2e: {  	s3 =	simm.s32 @!p0 $0x1082;
	s9 =	sld [smem:$0x3FB1]  }
0x2f: {  	lr =	sadd.s32 s0, s3;
	s0 =	sld [smem:$0x3FA8]  }
0x30: {  	s3 =	sld [smem:$0x3FAB]  }
0x31: {  	[smem:$0x3FB4] =	sst s10  }
0x32: {  	s10 =	sld [smem:$0x3FB2];
	_ =	sdelay $0x3  }
0x33: {  	p0 =	seq.s32 s10, $0x1;
	s10 =	sld [smem:$0x3FB4];
	_ =	sdelay $0x3  }
0x34: {  	[smem:$0x3FB4] =	sst s10  }
0x35: {  	s10 =	sld [smem:$0x3FB3];
	_ =	sdelay $0x3  }
0x36: {  	p1 =	seq.s32 s10, $0x1;
	s10 =	sld [smem:$0x3FB4];
	_ =	sdelay $0x3  }
0x37: {  	[smem:$0x3FB4] =	sst s10  }
0x38: {  	s10 =	sld [smem:$0x3FB5]  }
0x39: {  	_ = 	snop;
	(pc) =	sbr.ind lr, $3  }
0x3a: {  	_ = 	snop  }
0x3b: {  	_ = 	snop  }
0x3c: {  	p2 =	seq.s32 s10, $0x1;
	s10 =	sld [smem:$0x3FB4]  }
0x3d: {  	_ =	shalt  }
0x3e: {  	_ =	shalt  }
0x3f: {  	_ =	shalt  }
0x40: {  	_ =	shalt  }
0x41: {  	_ =	shalt  }
0x42: {  	_ =	shalt  }
0x43: {  	_ =	shalt  }
0x44: {  	_ =	shalt  }
0x45: {  	_ =	shalt  }
0x46: {  	_ =	shalt  }
0x47: {  	_ =	shalt  }
0x48: {  	_ =	shalt  }
0x49: {  	_ =	shalt  }
0x4a: {  	_ =	shalt  }
0x4b: {  	_ =	shalt  }
0x4c: {  	_ =	shalt  }
0x4d: {  	_ =	shalt  }
0x4e: {  	_ =	shalt  }
0x4f: {  	_ =	shalt  }
0x50: {  	_ =	shalt  }
0x51: {  	_ =	shalt  }
0x52: {  	_ =	shalt  }
0x53: {  	_ =	shalt  }
0x54: {  	_ =	shalt  }
0x55: {  	_ =	shalt  }
0x56: {  	_ =	shalt  }
0x57: {  	_ =	shalt  }
0x58: {  	_ =	shalt  }
0x59: {  	_ =	shalt  }
0x5a: {  	_ =	shalt  }
0x5b: {  	_ =	shalt  }
0x5c: {  	_ =	shalt  }
0x5d: {  	_ =	shalt  }
0x5e: {  	_ =	shalt  }
0x5f: {  	_ =	shalt  }
0x60: {  	_ =	shalt  }
0x61: {  	_ =	shalt  }
0x62: {  	_ =	shalt  }
0x63: {  	_ =	shalt  }
0x64: {  	_ =	shalt  }
0x65: {  	_ =	shalt  }
0x66: {  	_ =	shalt  }
0x67: {  	_ =	shalt  }
0x68: {  	_ =	shalt  }
0x69: {  	_ =	shalt  }
0x6a: {  	_ =	shalt  }
0x6b: {  	_ =	shalt  }
0x6c: {  	_ =	shalt  }
0x6d: {  	_ =	shalt  }
0x6e: {  	_ =	shalt  }
0x6f: {  	_ =	shalt  }
0x70: {  	_ =	shalt  }
0x71: {  	_ =	shalt  }
0x72: {  	_ =	shalt  }
0x73: {  	_ =	shalt  }
0x74: {  	_ =	shalt  }
0x75: {  	_ =	shalt  }
0x76: {  	_ =	shalt  }
0x77: {  	_ =	shalt  }
0x78: {  	_ =	shalt  }
0x79: {  	_ =	shalt  }
0x7a: {  	_ =	shalt  }
0x7b: {  	_ =	shalt  }
0x7c: {  	_ =	shalt  }
0x7d: {  	_ =	shalt  }
0x7e: {  	_ =	shalt  }
0x7f: {  	_ =	shalt  }
0x80: {  	_ =	shalt  }
0x81: {  	_ =	shalt  }
0x82: {  	_ =	shalt  }
0x83: {  	_ =	shalt  }
0x84: {  	_ =	shalt  }
0x85: {  	_ =	shalt  }
0x86: {  	_ =	shalt  }
0x87: {  	_ =	shalt  }
.Lfunc_end0:
.L_simem_size_0:
called_computation_lowered:
.L_overlay_start_0:
0x88: {  	s2 =	sld [smem:$0x3FD9]  }
0x89: {  	s3 =	sld [smem:$0x3FFE];
	_ =	sdelay $0x1  }
0x8a: {  	s1 =	srdreg.scid  }
0x8b: {  	s0 =	sand.u32 $0x1, s1  }
0x8c: {  	s17 =	sshll.u32 s0, $0xA;
	s2 =	sadd.s32 s3, s2  }
0x8d: {  	s2 =	sadd.s32 s2, s17  }
0x8e: {  	[smem:$0x3FC0] =	sst s2  }
0x8f: {  	_ = 	snop  }
0x90: {  	s2 =	sld [smem:$0x3FC9]  }
0x91: {  	s18 =	sld [smem:$0x3FD0];
	(tm) =	ssettm $0x1  }
0x92: {  	s4 =	sld [smem:$0x3FFB];
	_ =	sdelay $0x3  }
0x93: {  	_ =	strace s4  }
0x94: {  	s4 =	sld [smem:$0x3FFC];
	_ =	sdelay $0x3  }
0x95: {  	_ =	strace s4  }
0x96: {  	s4 =	sld [smem:$0x3FFD];
	_ =	sdelay $0x3  }
0x97: {  	_ =	strace s4  }
0x98: {  	_ =	strace $0x8FFFFFFF  }
0x99: {  	s19 =	sld [smem:$0x3FDB];
	_ =	sdelay $0x1  }
0x9a: {  	s5 =	simm.s32 $_scs_section_size  }
0x9b: {  	s6 =	simm.s32 $_size__tile_overlayer_lowered;
	s7 =	simm.s32 $_tile_overlayer_lowered  }
0x9c: {  	s22 =	simm.s32 $0x1BFF;
	s21 =	sshll.u32 s7, $0x1;
	s4 =	sadd.s32 s5, s19  }
0x9d: {  	s8 =	simm.s32 $0x0;
	s20 =	sshll.u32 s6, $0x1;
	s6 =	sadd.s32 s21, s4  }
0x9e: {  	[timem:s8], [sflag:s22] =	dma.local [hbm:s6], s20  }
0x9f: {  	_ =	swait.ge [sflag:s22], s20  }
0xa0: {  	s5 =	ssub.s32 $0x0, s20;
	[sflag:s22] =	ssyncset.done $0x0  }
0xa1: {  	[sflag:s22] =	ssyncadd.s32 s5;
	_ =	sdelay $0x1  }
0xa2: {  	s23 =	simm.s32 $0x1B8B  }
0xa3: {  	_ =	swait.ge [sflag:s23], $0x1  }
0xa4: {  	[sflag:s23] =	ssyncset.done $0x0  }
0xa5: {  	s25 =	simm.s32 $0x1B8E;
	s24 =	sld [smem:$0x3FFE];
	[sflag:s23] =	ssyncadd.s32 $0xFFFFFFFF  }
0xa6: {  	s26 =	simm.s32 $execute0_lowered;
	[smem:$0x3FD2] =	sst s25  }
0xa7: {  	s6 =	sshll.u32 s26, $0x1;
	_ =	strace $0x80000046;
	[dreg:$0x1] =	wrdreg $0xFFFFFFFF  }
0xa8: {  	s28 =	simm.s32 $_size_execute0_lowered;
	s4 =	sadd.s32 s4, s6;
	[dreg:$0x0] =	wrdreg $0x0  }
0xa9: {  	s6 =	sshll.u32 s28, $0x1;
	[dreg:$0x2] =	wrdreg s4  }
0xaa: {  	[dreg:$0x3] =	wrdreg s6  }
0xab: {  	[dreg:$0x4] =	wrdreg $0xC0  }
0xac: {  	_ =	task [dreg:s8], $0x5FFFF  }
0xad: {  	[dreg:$0x1] =	wrdreg $0xFFFFFFFF  }
0xae: {  	[dreg:$0x0] =	wrdreg $0x60  }
0xaf: {  	[dreg:$0x2] =	wrdreg s2  }
0xb0: {  	[dreg:$0x3] =	wrdreg s24  }
0xb1: {  	[dreg:$0x4] =	wrdreg s18  }
0xb2: {  	[dreg:$0x5] =	wrdreg $0xB0000  }
0xb3: {  	[dreg:$0x6] =	wrdreg $0x9  }
0xb4: {  	_ =	task.clear_ibuf [dreg:s8], $0x7FFFF;
	_ =	strace $0x90000046  }
0xb5: {  	s29 =	simm.s32 $0x9;
	_ =	strace $0x80000048  }
0xb6: {  	_ =	swait.ge [sflag:s29], $0x1  }
0xb7: {  	[sflag:s29] =	ssyncadd.s32 $0xFFFFFFFF  }
0xb8: {  	_ =	strace $0x90000048  }
0xb9: {  	_ =	sfence  }
0xba: {  	s30 =	sld [smem:$0x0];
	_ =	sdelay $0x2  }
0xbb: {  	s31 =	sshll.u32 s1, $0xD;
	s1 =	sshrl.u32 s1, $0x2  }
0xbc: {  	s3 =	sand.u32 $0x4000, s31;
	s1 =	sadd.s32 s1, s30  }
0xbd: {  	s0 =	sor.u32 s3, s0;
	s1 =	sshll.u32 s1, $0x11  }
0xbe: {  	s0 =	sor.u32 s1, s0  }
0xbf: {  	s0 =	sadd.s32 $0x8F2B, s0  }
0xc0: {  	[sflag:s0] =	ssyncadd.remote.s32 $0x1  }
0xc1: {  	_ =	sfence.sel $0xFFFF  }
0xc2: {  	[dreg:$0x0] =	wrdreg $0xFFFFFFFF;
	(pc) =	sbr.abs _section_cstart, $3  }
0xc3: {  	[dreg:$0x1] =	wrdreg $0xFFFFFFFF  }
0xc4: {  	_ =	task.clear_ibuf [dreg:s8], $0x2FFFF;
	_ =	strace $0x9FFFFFFF  }
0xc5: {  	(tm) =	ssettm $0x7FFFFFFF  }
tec
execute0_lowered:
.L_overlay_start_1:
0x0: {  	(tag) =	ssettag $0x1  }
0x1: {  	s1 =	rddreg [dreg:$0x0]  }
0x2: {  	s0 =	rddreg [dreg:$0x1]  }
0x3: {  	s2 =	rddreg [dreg:$0x2]  }
0x4: {  	s3 =	rddreg [dreg:$0x3];
	s4 =	simm.s32 $0x0  }
0x5: {  	s5 =	srdreg.scid;
	s6 =	stileid.u32;
	s17 =	simm.s32 $0x9  }
0x6: {  	s18 =	simm.s32 $0x8800;
	s29 =	simm.s32 $0x5;
	s30 =	simm.s32 $0x4  }
0x7: {  	s31 =	simm.s32 $0x6;
	[smem:$0x7FF] =	sst s4;
	s8 =	sand.u32 $0x1, s5  }
0x8: {  	s9 =	smul.u32 $0x2800, s6;
	s5 =	sadd.s32 $0x2200, s0;
	s7 =	sadd.s32 $0x34200, s0  }
0x9: {  	s11 =	smul.u32 $0x50000, s6;
	s12 =	sshll.u32 s6, $0x1;
	s22 =	sshrl.u32 s6, $0x2  }
0xa: {  	s23 =	sshll.u32 s6, $0x6;
	_ =	strace $0x80000047;
	s10 =	smul.u32 $0x28000, s8  }
0xb: {  	[dreg:$0x5] =	wrdreg s7;
	s7 =	sadd.s32 $0x36A00, s0;
	s19 =	ssub.s32 $0x2, s8  }
0xc: {  	s8 =	sor.u32 s8, s12;
	s24 =	smul.u32 $0x14000, s22;
	s20 =	sshrl.u32 s19, $0x1  }
0xd: {  	s21 =	sshrl.u32 s11, $0x2;
	s12 =	smul.u32 $0x6400, s8;
	s25 =	sshll.u32 s8, $0x7  }
0xe: {  	s8 =	sor.u32 $0x1C09, s23;
	s9 =	sadd.s32 s9, s10;
	s15 =	ssub.s32 s19, s20  }
0xf: {  	s16 =	sadd.s32 s21, s3;
	s26 =	sand.u32 $0x380, s25;
	s13 =	sadd.s32 s9, s0  }
0x10: {  	s19 =	sshrl.u32 s12, $0x3;
	s9 =	sadd.s32 $0x1B200, s0;
	s14 =	sor.u32 s24, s26  }
.Ltmp0:
0x11: {  	s12 =	sadd.s32 $0x800, s12;
	s15 =	smax.u32 s15, $0x1;
	(pc) =	sbr.rel .LBB2_1-.Ltmp0, $4  }
0x12: {  	s16 =	sshrl.u32 s16, $0x3;
	s24 =	simm.s32 $0x50;
	s26 =	simm.s32 $0x80  }
0x13: {  	s28 =	sadd.s32 $0x80, s19;
	s10 =	sadd.s32 s5, s19;
	s14 =	sshrl.u32 s14, $0x3  }
0x14: {  	s13 =	sadd.s32 $0x37000, s13;
	s19 =	sadd.s32 s19, s9;
	s11 =	sadd.s32 s5, s28  }
0x15: {  	v0 =	vimm.f32 $1.000000000e+00;
	s14 =	sadd.s32 s2, s14;
	s21 =	sadd.s32 s28, s9;
	s2 =	simm.s32 $0x0  }
.LBB2_7:
0x16: {  	_ =	swait.ge [sflag:s30], $0x2800  }
0x17: {  	[sflag:s30] =	ssyncset.done $0x0  }
0x18: {  	[sflag:s30] =	ssyncadd.s32 $0xFFFFD800  }
0x19: {  	_ =	swait.ge [sflag:s29], $0x2800  }
0x1a: {  	[sflag:s29] =	ssyncset.done $0x0  }
0x1b: {  	[sflag:s29] =	ssyncadd.s32 $0xFFFFD800  }
0x1c: {  	_ =	swait.ge [sflag:s31], $0x2800  }
0x1d: {  	[sflag:s31] =	ssyncset.done $0x0  }
0x1e: {  	[sflag:s31] =	ssyncadd.s32 $0xFFFFD800  }
0x1f: {  	[bflag:$0x0] =	sbarrier.arrive $0xFFFF  }
0x20: {  	[hbm:s13], [sflag:s8] =	dma.local [spmem:s16], $0x2800  }
0x21: {  	s2 =	sadd.s32 $0x1, s2;
	_ =	swait.ge [sflag:s17], $0x2800  }
0x22: {  	p0 =	sne.s32 s2, s15;
	[sflag:s17] =	ssyncset.done $0x0  }
.Ltmp1:
0x23: {  	s0 =	simm.s32 $0x400;
	[sflag:s17] =	ssyncadd.s32 $0xFFFFD800;
	(pc) =	sbr.rel @!p0 .LBB2_8-.Ltmp1, $4  }
0x24: {  	[hbm4b:s14+s26] =	stream.strided.scatter [tilespmem:s18], [sflag:$0x9], $0x2800, s0, s26, $0x38;
	[tilespmem:$0x1F000] =	vst v63  }
0x25: {  	_ =	swait.ge [sflag:s17], $0x2800  }
0x26: {  	[sflag:s17] =	ssyncset.done $0x0  }
0x27: {  	[sflag:s17] =	ssyncadd.s32 $0xFFFFD800  }
.LBB2_1:
0x28: {  	s0 =	rddreg [dreg:$0x5]  }
0x29: {  	[spmem:s16], [sflag:s8] =	dma.local [hbm:s0], $0x2800  }
0x2a: {  	_ =	swait.ge [sflag:s17], $0x2800  }
0x2b: {  	[sflag:s17] =	ssyncset.done $0x0  }
0x2c: {  	[sflag:s17] =	ssyncadd.s32 $0xFFFFD800  }
0x2d: {  	[tilespmem:s18], [sflag:$0x9] =	stream.linear.gather [hbm4b:s7+s4], $0x2800, $0x38;
	[tilespmem:$0x1F000] =	vst v63  }
0x2e: {  	_ =	swait.ge [sflag:s17], $0x2800  }
0x2f: {  	[sflag:s17] =	ssyncset.done $0x0  }
0x30: {  	[sflag:s17] =	ssyncadd.s32 $0xFFFFD800  }
0x31: {  	[bflag:$0x0] =	sbarrier.arrive $0xFFFF  }
0x32: {  	[tilespmem:s4], [sflag:$0x9] =	stream.linear.gather [hbm4b:s19+s4], $0x280, $0x38;
	[tilespmem:$0x1F000] =	vst v63  }
0x33: {  	_ =	swait.ge [sflag:s17], $0x280  }
0x34: {  	[sflag:s17] =	ssyncset.done $0x0  }
0x35: {  	s20 =	simm.s32 $0x800;
	[sflag:s17] =	ssyncadd.s32 $0xFFFFFD80  }
0x36: {  	[tilespmem:s20], [sflag:$0x9] =	stream.linear.gather [hbm4b:s10+s4], $0x280, $0x38;
	[tilespmem:$0x1F000] =	vst v63  }
0x37: {  	_ =	swait.ge [sflag:s17], $0x280  }
0x38: {  	[sflag:s17] =	ssyncset.done $0x0  }
0x39: {  	s22 =	simm.s32 $0x280;
	[sflag:s17] =	ssyncadd.s32 $0xFFFFFD80  }
0x3a: {  	[tilespmem:s22], [sflag:$0x7] =	stream.linear.gather [hbm4b:s21+s4], $0x280, $0x38;
	[tilespmem:$0x1F000] =	vst v63  }
0x3b: {  	s23 =	simm.s32 $0xA80  }
0x3c: {  	[tilespmem:s23], [sflag:$0x8] =	stream.linear.gather [hbm4b:s11+s4], $0x280, $0x38;
	[tilespmem:$0x1F000] =	vst v63  }
.Ltmp2:
0x3d: {  	_ = 	snop;
	(pc) =	sbr.rel .LBB2_2-.Ltmp2, $4  }
0x3e: {  	s25 =	simm.s32 $0x1000  }
0x3f: {  	[tilespmem:s25], [sflag:$0x1] =	stream.indirect.gather [hbm4b:s1+s24], $0x80, s4, s24, $0xb8;
	[tilespmem:$0x1F000] =	vst v63  }
0x40: {  	s28 =	simm.s32 $0x3800;
	s20 =	simm.s32 $0x2;
	s22 =	simm.s32 $0x0  }
0x41: {  	[tilespmem:s28], [sflag:$0x2] =	stream.indirect.gather [hbm4b:s1+s24], $0x80, s26, s24, $0xb8;
	[tilespmem:$0x1F000] =	vst v63  }
.LBB2_3:
0x42: {  	s0 =	sadd.s32 $0x4, s25  }
0x43: {  	_ =	swait.ge [sflag:s0], $0x2800  }
0x44: {  	[sflag:s0] =	ssyncset.done $0x0  }
0x45: {  	[sflag:s0] =	ssyncadd.s32 $0xFFFFD800  }
.LBB2_5:
0x46: {  	s0 =	smul.u32 $0xCD, s28  }
0x47: {  	s6 =	smulhi.u32 $0xCCCCCCCD, s20  }
0x48: {  	s0 =	sshrl.u32 s0, $0xA  }
0x49: {  	s6 =	sshrl.u32 s6, $0x2;
	s0 =	sand.u32 $0x1, s0  }
0x4a: {  	s6 =	smul.u32 $0x7FFFFB, s6;
	p0 =	seq.s32 s0, $0x1;
	s0 =	simm.s32 $0x5  }
0x4b: {  	s0 =	simm.s32 @!p0 $0x0  }
0x4c: {  	s28 =	smul.u32 $0xA000, s25;
	s6 =	sadd.s32 $0x2, s6;
	s0 =	sadd.s32 s22, s0  }
0x4d: {  	s0 =	sadd.s32 s6, s0  }
0x4e: {  	s25 =	sadd.s32 $0x1, s25;
	s28 =	sshrl.u32 s28, $0x2;
	s0 =	sshll.u32 s0, $0x9  }
0x4f: {  	s28 =	sadd.s32 $0x1000, s28;
	s6 =	smul.u32 $0xCD, s22;
	s0 =	sshra.s32 s0, $0x2  }
0x50: {  	[tilespmem:s28], [sflag:s25] =	stream.indirect.gather [hbm4b:s1+s24], $0x80, s0, s24, $0xb8;
	[tilespmem:$0x1F000] =	vst v63  }
0x51: {  	p0 =	sgt.u32 s22, $0x72;
	s0 =	sadd.s32 $0xFFFFFFFC, s23  }
0x52: {  	s6 =	sshrl.u32 s6, $0xA;
	p1 =	sne.s32 @!p0 s0, $0x0  }
0x53: {  	s0 =	sand.u32 $0x3F, s6;
	p0 =	por p1, p0  }
0x54: {  	s0 =	sshll.u32 @!p0 s0, $0xA  }
0x55: {  	s6 =	sand.u32 $0x1, s6;
	s0 =	sadd.s32 @!p0 s0, s12  }
0x56: {  	s6 =	smul.u32 @!p0 $0x280, s6;
	s0 =	sshrl.u32 @!p0 s0, $0x3  }
0x57: {  	s25 =	simm.s32 @!p0 $0x0;
	s23 =	sadd.s32 @!p0 s9, s0  }
0x58: {  	[tilespmem:s6], [sflag:$0x7] =	stream.linear.gather @!p0 [hbm4b:s23+s25], $0x280, $0x38;
	[tilespmem:$0x1F000] =	vst v63  }
0x59: {  	s0 =	sadd.s32 @!p0 s5, s0;
	s6 =	sor.u32 @!p0 $0x800, s6  }
0x5a: {  	[tilespmem:s6], [sflag:$0x8] =	stream.linear.gather @!p0 [hbm4b:s0+s25], $0x280, $0x38;
	[tilespmem:$0x1F000] =	vst v63  }
.LBB2_6:
0x5b: {  	s22 =	sadd.s32 $0x1, s22  }
0x5c: {  	p0 =	sne.s32 s22, $0x7D  }
.Ltmp3:
0x5d: {  	_ = 	snop;
	(pc) =	sbr.rel @!p0 .LBB2_7-.Ltmp3, $2  }
0x5e: {  	_ =	sdelay $0x2  }
0x5f: {  	s20 =	sadd.s32 $0x1, s20  }
.LBB2_2:
0x60: {  	s23 =	smulhi.u32 $0xCCCCCCCD, s22;
	_ =	sdelay $0x1  }
0x61: {  	s25 =	sshrl.u32 s23, $0x2  }
0x62: {  	s28 =	smul.u32 $0xFFFFFFFB, s25;
	_ =	sdelay $0x1  }
0x63: {  	s23 =	sadd.s32 s28, s22  }
0x64: {  	p0 =	sgt.u32 s22, $0x77;
	s0 =	sadd.s32 $0xFFFFFFFD, s23  }
0x65: {  	s6 =	smul.u32 $0xAB, s22;
	p1 =	sne.s32 @!p0 s0, $0x0  }
0x66: {  	p0 =	por p1, p0  }
0x67: {  	s0 =	sshrl.u32 s6, $0x9;
	s6 =	simm.s32 @!p0 $0x7  }
0x68: {  	s0 =	sand.u32 $0x7F, s0;
	_ =	swait.ge @!p0 [sflag:s6], $0x280  }
0x69: {  	s0 =	smul.u32 $0x3, s0;
	[sflag:s6] =	ssyncset.done @!p0 $0x0  }
0x6a: {  	s25 =	sand.u32 $0x1, s25;
	[sflag:s6] =	ssyncadd.s32 @!p0 $0xFFFFFD80;
	s6 =	simm.s32 @!p0 $0x8  }
0x6b: {  	s25 =	smul.u32 $0x5, s25;
	s0 =	ssub.s32 s22, s0;
	_ =	swait.ge @!p0 [sflag:s6], $0x280  }
0x6c: {  	s0 =	sand.u32 $0xFF, s0;
	[sflag:s6] =	ssyncset.done @!p0 $0x0  }
0x6d: {  	[sflag:s6] =	ssyncadd.s32 @!p0 $0xFFFFFD80;
	s6 =	sadd.s32 s25, s22;
	s25 =	sadd.s32 $0x1, s0  }
0x6e: {  	s6 =	sadd.s32 s28, s6;
	_ =	swait.ge [sflag:s25], $0x2800;
	s28 =	smul.u32 $0xA000, s0  }
0x6f: {  	[sflag:s25] =	ssyncset.done $0x0;
	s6 =	sshll.u32 s6, $0x9  }
0x70: {  	[sflag:s25] =	ssyncadd.s32 $0xFFFFD800;
	s25 =	sshrl.u32 s28, $0x2;
	s6 =	sshra.s32 s6, $0x2  }
0x71: {  	s0 =	sadd.s32 $0x4, s0;
	s25 =	sadd.s32 $0x1000, s25;
	s28 =	sadd.s32 $0x800, s6  }
0x72: {  	[spmem:s3] =	stream.indirect.scatter.add.f32 [tilespmem:s25], [sflag:s0], $0x80, s28, s24, $0xb8;
	[tilespmem:$0x1F000] =	vst v63  }
0x73: {  	v1 =	vld [tilespmem:s6+$0x800];
	_ =	sdelay $0x7  }
0x74: {  	[tilespmem:v1+s18+$0x0] =	vst.idx.add.f32.msk $0xffff, v0  }
0x75: {  	v1 =	vld [tilespmem:s6+$0x810];
	_ =	sdelay $0x7  }
0x76: {  	[tilespmem:v1+s18+$0x0] =	vst.idx.add.f32.msk $0xffff, v0  }
0x77: {  	v1 =	vld [tilespmem:s6+$0x820];
	_ =	sdelay $0x7  }
0x78: {  	[tilespmem:v1+s18+$0x0] =	vst.idx.add.f32.msk $0xffff, v0  }
0x79: {  	v1 =	vld [tilespmem:s6+$0x830];
	_ =	sdelay $0x7  }
0x7a: {  	[tilespmem:v1+s18+$0x0] =	vst.idx.add.f32.msk $0xffff, v0  }
0x7b: {  	s28 =	sadd.s32 $0x2, s22;
	v1 =	vld [tilespmem:s6+$0x840]  }
0x7c: {  	s6 =	smul.u32 $0xAB, s28  }
0x7d: {  	s25 =	sadd.s32 $0xFFFFFFFF, s22  }
0x7e: {  	p0 =	sgt.u32 s25, $0x79;
	s0 =	sshrl.u32 s6, $0x9  }
.Ltmp4:
0x7f: {  	s0 =	sand.u32 $0x7F, s0;
	(pc) =	sbr.rel @!p0 .LBB2_3-.Ltmp4, $3  }
0x80: {  	s0 =	smul.u32 $0x3, s0;
	_ =	sdelay $0x1  }
0x81: {  	s0 =	ssub.s32 s28, s0  }
0x82: {  	s25 =	sand.u32 $0xFF, s0;
	[tilespmem:v1+s18+$0x0] =	vst.idx.add.f32.msk $0xffff, v0  }
0x83: {  	p0 =	sgt.u32 s22, $0x7A  }
.Ltmp5:
0x84: {  	_ = 	snop;
	(pc) =	sbr.rel @p0 .LBB2_6-.Ltmp5, $4  }
.Ltmp6:
0x85: {  	_ = 	snop;
	(pc) =	sbr.rel @!p0 .LBB2_5-.Ltmp6, $4  }
0x86: {  	_ = 	snop  }
0x87: {  	_ = 	snop  }
0x88: {  	_ = 	snop  }
0x89: {  	_ = 	snop  }
.LBB2_8:
0x8a: {  	_ =	sfence.sel $0x180000  }
0x8b: {  	[bflag:$0x0] =	sbarrier.arrive $0xFFFF  }
0x8c: {  	_ =	strace $0x90000047  }
0x8d: {  	s0 =	stileid.u32;
	[bflag:$0x2] =	sbarrier.arrive $0xFFFF  }
0x8e: {  	p0 =	sne.s32 s0, $0x0;
	s0 =	rddreg [dreg:$0x4]  }
0x8f: {  	s0 =	sadd.s32 @!p0 $0x100000, s0  }
0x90: {  	[sflag:s0] =	ssyncadd.tile.s32 @!p0 $0x1;
	_ =	shalt  }
.Lfunc_end2:
_tile_overlayer_lowered:
.L_overlay_start_2:
0x91: {  	(tag) =	ssettag $0x2  }
0x92: {  	s0 =	rddreg [dreg:$0x0];
	s2 =	stileid.u32  }
0x93: {  	s1 =	rddreg [dreg:$0x1];
	p0 =	sne.s32 s2, $0x0  }
0x94: {  	s3 =	rddreg [dreg:$0x2];
	[bflag:$0x3] =	sbarrier.arrive $0xFFFF;
	s2 =	simm.s32 @!p0 $0x1C09  }
0x95: {  	[timem:s3], [sflag:s2] =	dma.local @!p0 [hbm:s0], s1  }
0x96: {  	s0 =	simm.s32 @!p0 $0x9  }
0x97: {  	_ =	swait.ge @!p0 [sflag:s0], s1  }
0x98: {  	s1 =	ssub.s32 @!p0 $0x0, s1;
	[sflag:s0] =	ssyncset.done @!p0 $0x0  }
0x99: {  	[sflag:s0] =	ssyncadd.s32 @!p0 s1  }
0x9a: {  	[bflag:$0x3] =	sbarrier.arrive $0xFFFF  }
0x9b: {  	_ =	shalt  }

</sc_bundles>
